<compile_context>
chip_gen: v7x
topology: tpu7x:2x2x1
jax: 0.10.2.dev20260603
libtpu: 0.0.44.dev20260713+nightly
codegen_flags: <defaults>
</compile_context>

<pallas_src>
import dataclasses
import functools

import jax
import jax.numpy as jnp
from jax import lax
from jax.experimental import pallas as pl
from jax.experimental.pallas import tpu as pltpu
from jax.experimental.pallas import tpu_sc as plsc

B = 16
N = 512 * 512
NB = 1024
SCALE = 64.0
VMAX = (NB - 1) / SCALE
NLANE = 16
NWORK = 32
HALF = N // 2
WIN = 8192
NWIN = HALF // WIN
CHUNK = 2048
NCH = HALF // CHUNK
NSLOT = NB + NCH
STRIDE = NSLOT + 1
TOTF = float(B * N)


def _sc_pass_kernel(yp_hbm, yt_hbm, cnt_o, fsum_o, npos_o, ypb0, ypb1, ytb0,
                    ytb1, cntv, fsumv, nposv, sems):
    wid = lax.axis_index("s") * 2 + lax.axis_index("c")
    base = wid * HALF

    zeros16 = jnp.zeros((NLANE,), jnp.float32)
    ones16 = jnp.ones((NLANE,), jnp.float32)
    lanebase = lax.iota(jnp.int32, NLANE) * STRIDE

    def _compute_window(w, buf_idx, np_acc):
        ypb = ypb1 if buf_idx else ypb0
        ytb = ytb1 if buf_idx else ytb0

        def body(j, acc):
            sl = pl.ds(pl.multiple_of(j * NLANE, NLANE), NLANE)
            ypv = ypb[sl]
            ytv = ytb[sl]
            posm = ytv > 0.0
            d = ypv - ytv
            ad = jnp.abs(d)
            sl1 = jnp.where(ad < 1.0, (0.5 * d) * d, ad - 0.5)
            lc = jnp.where(posm, 0.0, ad)
            bidx = (jnp.minimum(lc, VMAX) * SCALE).astype(jnp.int32)
            chunk_slot = NB + (w * WIN + j * NLANE) // CHUNK
            slot = jnp.where(lc == 0.0, chunk_slot, bidx)
            idx16 = lanebase + slot
            plsc.addupdate_scatter(cntv, [idx16], ones16)
            plsc.addupdate_scatter(fsumv, [idx16], sl1)
            return acc + jnp.where(posm, 1.0, 0.0)

        return plsc.parallel_loop(0, WIN // NLANE, unroll=8, carry=np_acc)(body)

    def _start_copies(w, buf_idx):
        off = pl.multiple_of(base + w * WIN, WIN)
        ypb = ypb1 if buf_idx else ypb0
        ytb = ytb1 if buf_idx else ytb0
        pltpu.make_async_copy(yp_hbm.at[pl.ds(off, WIN)], ypb,
                              sems.at[buf_idx, 0]).start()
        pltpu.make_async_copy(yt_hbm.at[pl.ds(off, WIN)], ytb,
                              sems.at[buf_idx, 1]).start()

    def _wait_copies(w, buf_idx):
        off = pl.multiple_of(base + w * WIN, WIN)
        ypb = ypb1 if buf_idx else ypb0
        ytb = ytb1 if buf_idx else ytb0
        pltpu.make_async_copy(yp_hbm.at[pl.ds(off, WIN)], ypb,
                              sems.at[buf_idx, 0]).wait()
        pltpu.make_async_copy(yt_hbm.at[pl.ds(off, WIN)], ytb,
                              sems.at[buf_idx, 1]).wait()

    _start_copies(0, 0)
    _start_copies(1, 1)

    @pl.loop(0, STRIDE * NLANE, step=NLANE)
    def _zero(i):
        i = pl.multiple_of(i, NLANE)
        cntv[pl.ds(i, NLANE)] = zeros16
        fsumv[pl.ds(i, NLANE)] = zeros16

    def _outer(i, acc):
        w = i * 2
        _wait_copies(w, 0)
        acc = _compute_window(w, 0, acc)
        _start_copies(w + 2, 0)
        _wait_copies(w + 1, 1)
        acc = _compute_window(w + 1, 1, acc)
        _start_copies(w + 3, 1)
        return acc

    np_acc = lax.fori_loop(0, NWIN // 2 - 1, _outer, zeros16)
    w_last = NWIN - 2
    _wait_copies(w_last, 0)
    np_acc = _compute_window(w_last, 0, np_acc)
    _wait_copies(w_last + 1, 1)
    np_acc = _compute_window(w_last + 1, 1, np_acc)
    nposv[...] = np_acc

    pltpu.sync_copy(cntv, cnt_o.at[wid])
    pltpu.sync_copy(fsumv, fsum_o.at[wid])
    pltpu.sync_copy(nposv, npos_o.at[wid])


def _sc_pass(yp_flat, yt_flat):
    mesh = plsc.VectorSubcoreMesh(core_axis_name="c", subcore_axis_name="s")
    out_type = (
        jax.ShapeDtypeStruct((NWORK, NLANE * STRIDE), jnp.float32),
        jax.ShapeDtypeStruct((NWORK, NLANE * STRIDE), jnp.float32),
        jax.ShapeDtypeStruct((NWORK, NLANE), jnp.float32),
    )
    scratch_types = [
        pltpu.VMEM((WIN,), jnp.float32),
        pltpu.VMEM((WIN,), jnp.float32),
        pltpu.VMEM((WIN,), jnp.float32),
        pltpu.VMEM((WIN,), jnp.float32),
        pltpu.VMEM((NLANE * STRIDE,), jnp.float32),
        pltpu.VMEM((NLANE * STRIDE,), jnp.float32),
        pltpu.VMEM((NLANE,), jnp.float32),
        pltpu.SemaphoreType.DMA((2, 2)),
    ]
    cp = pltpu.CompilerParams()
    if "needs_layout_passes" in pltpu.CompilerParams.__dataclass_fields__:
        cp = dataclasses.replace(cp, needs_layout_passes=False)
    fn = pl.kernel(_sc_pass_kernel, out_type=out_type, mesh=mesh,
                   scratch_types=scratch_types, compiler_params=cp)
    return fn(yp_flat, yt_flat)


def _finish_kernel(cnt_ref, fsum_ref, npos_ref, out_ref):
    f32 = jnp.float32
    xc = cnt_ref[...]
    xf = fsum_ref[...]
    npos_in = npos_ref[...]

    nrows_in = NWORK * NLANE
    r_i = lax.broadcasted_iota(jnp.int32, (B, nrows_in), 0)
    i_i = lax.broadcasted_iota(jnp.int32, (B, nrows_in), 1)
    mrow = (i_i // (2 * NLANE) == r_i).astype(f32)
    t_i = lax.broadcasted_iota(jnp.int32, (NWORK, nrows_in), 0)
    i2_i = lax.broadcasted_iota(jnp.int32, (NWORK, nrows_in), 1)
    mhalf = (i2_i // NLANE == t_i).astype(f32)

    r2_i = lax.broadcasted_iota(jnp.int32, (B, NWORK), 0)
    h_i = lax.broadcasted_iota(jnp.int32, (B, NWORK), 1)
    mpair = (h_i // 2 == r2_i).astype(f32)
    e_t = lax.broadcasted_iota(jnp.int32, (NWORK, B), 0)
    e_r = lax.broadcasted_iota(jnp.int32, (NWORK, B), 1)
    expand = (e_r == e_t // 2).astype(f32)

    hp = jax.lax.Precision.HIGHEST
    full = jnp.dot(mrow, xc, precision=hp)
    fullf = jnp.dot(mrow, xf, precision=hp)
    cnt = full[:, :NB]
    fsum = fullf[:, :NB]
    zh = jnp.dot(mhalf, xc, precision=hp)[:, NB:NB + NCH]
    zsh = jnp.dot(mhalf, xf, precision=hp)[:, NB:NB + NCH]

    npos = jnp.dot(mpair, jnp.sum(npos_in, axis=1, keepdims=True),
                   precision=hp)

    k = jnp.minimum(2.0 * npos, float(N - 1))

    b_a = lax.broadcasted_iota(jnp.int32, (NB, NB), 0)
    b_b = lax.broadcasted_iota(jnp.int32, (NB, NB), 1)
    tsuf = (b_a >= b_b).astype(f32)
    suffix = jnp.dot(cnt, tsuf, precision=hp)

    iota_b = lax.broadcasted_iota(jnp.int32, (B, NB), 1).astype(f32)
    beta = jnp.max(jnp.where(suffix >= k, iota_b, 0.0), axis=1,
                   keepdims=True)

    gt = iota_b > beta
    c_gt = jnp.sum(jnp.where(gt, cnt, 0.0), axis=1, keepdims=True)
    s_gt = jnp.sum(jnp.where(gt, fsum, 0.0), axis=1, keepdims=True)
    at = iota_b == beta
    cnt_b = jnp.sum(jnp.where(at, cnt, 0.0), axis=1, keepdims=True)
    sum_b = jnp.sum(jnp.where(at, fsum, 0.0), axis=1, keepdims=True)
    m = k - c_gt
    s_tie = jnp.where(m > 0.0, m * sum_b / jnp.maximum(cnt_b, 1.0), 0.0)
    s_neg_hi = s_gt + s_tie

    ge1 = iota_b >= 1.0
    c_gt0 = jnp.sum(jnp.where(ge1, cnt, 0.0), axis=1, keepdims=True)
    s_gt0 = jnp.sum(jnp.where(ge1, fsum, 0.0), axis=1, keepdims=True)
    nzero_h = jnp.sum(zh, axis=1, keepdims=True)
    nzero = jnp.dot(mpair, nzero_h, precision=hp)
    zsum = jnp.dot(mpair, jnp.sum(zsh, axis=1, keepdims=True), precision=hp)
    ns = cnt[:, :1]
    fs_small = fsum[:, :1]
    m0 = jnp.maximum(k - c_gt0, 0.0)
    q = jnp.minimum(m0, ns)
    s_small = q * fs_small / jnp.maximum(ns, 1.0)
    mz = m0 - q

    c_a = lax.broadcasted_iota(jnp.int32, (NCH, NCH), 0)
    c_b = lax.broadcasted_iota(jnp.int32, (NCH, NCH), 1)
    tpre = (c_a < c_b).astype(f32)
    prefix = jnp.dot(zh, tpre, precision=hp)
    t2_i = lax.broadcasted_iota(jnp.int32, (NWORK, NWORK), 0)
    tp_i = lax.broadcasted_iota(jnp.int32, (NWORK, NWORK), 1)
    shift_prev = ((t2_i % 2 == 1) & (tp_i == t2_i - 1)).astype(f32)
    prev_total = jnp.dot(shift_prev, nzero_h, precision=hp)
    prefix = prefix + prev_total
    mz_h = jnp.dot(expand, mz, precision=hp)
    selc = jnp.clip(mz_h - prefix, 0.0, zh) / jnp.maximum(zh, 1.0)
    s_z_h = jnp.sum(selc * zsh, axis=1, keepdims=True)
    s_z = jnp.dot(mpair, s_z_h, precision=hp)
    s_neg0 = s_gt0 + s_small + s_z

    s_neg = jnp.where(beta == 0.0, s_neg0, s_neg_hi)

    pos_cnt = jnp.maximum(jnp.sum(npos), 1.0)
    neg_cnt = jnp.maximum(jnp.sum(k), 1.0)
    loss = 2.0 * (jnp.sum(zsum) / pos_cnt) + jnp.sum(s_neg) / neg_cnt
    out_ref[0, 0] = loss


def _finish(cnt, fsum, npos):
    return pl.pallas_call(
        _finish_kernel,
        out_shape=jax.ShapeDtypeStruct((1, 1), jnp.float32),
        out_specs=pl.BlockSpec(memory_space=pltpu.SMEM),
    )(cnt.reshape(NWORK * NLANE, STRIDE), fsum.reshape(NWORK * NLANE, STRIDE),
      npos)


def kernel(y_pred, y_true):
    yp = y_pred.reshape(-1)
    yt = y_true.reshape(-1)
    cnt, fsum, npos = _sc_pass(yp, yt)
    out = _finish(cnt, fsum, npos)
    return jnp.reshape(out, ())

# --- scband reference (transcript-rebuilt; emitter-appended) ---
"""Pipeline reference for scband-oheml1-loss-32220844654661 (READ-ONLY COPY).

The authoritative reference and input builder live on the scoring server;
editing this copy changes nothing except your own understanding.
"""

import jax, jax.numpy as jnp
import numpy as np

B, H, W, C = 16, 512, 512, 1
NEGPOS_RATIO = 2


def setup_inputs(seed: int = 0) -> dict:
    key = jax.random.key(seed)
    k1, k2 = jax.random.split(key)
    y_pred = jax.random.normal(k1, (B, H, W, C), dtype=jnp.float32)
    # heatmap targets: integer levels 0..2 cast to float; zeros are background
    y_true = jax.random.randint(k2, (B, H, W, C), 0, 3).astype(jnp.float32)
    return {"y_pred": y_pred, "y_true": y_true}


def _smooth_l1(d):
    ad = jnp.abs(d)
    return jnp.where(ad < 1.0, 0.5 * d * d, ad - 0.5)


def reference(y_pred, y_true):
    batch_size = y_true.shape[0]
    yp = y_pred.reshape(batch_size, -1)
    yt = y_true.reshape(batch_size, -1)
    N = yt.shape[1]
    pos = yt != 0.0
    num_pos = jnp.sum(pos.astype(jnp.int32), axis=1, keepdims=True)
    loss_c = jnp.abs(yp - yt)
    loss_c = jnp.where(pos, 0.0, loss_c)
    # descending sort of loss, then rank of each element
    loss_idx = jnp.argsort(-loss_c, axis=1)
    idx_rank = jnp.argsort(loss_idx, axis=1)
    num_neg = jnp.minimum(NEGPOS_RATIO * num_pos, N - 1)
    neg = idx_rank < num_neg
    sl1 = _smooth_l1(yp - yt)
    pos_cnt = jnp.maximum(jnp.sum(pos.astype(jnp.float32)), 1.0)
    neg_cnt = jnp.maximum(jnp.sum(neg.astype(jnp.float32)), 1.0)
    pos_loss = jnp.sum(jnp.where(pos, sl1, 0.0)) / pos_cnt
    neg_loss = jnp.sum(jnp.where(neg, sl1, 0.0)) / neg_cnt
    heatmap_loss = NEGPOS_RATIO * pos_loss + neg_loss
    return heatmap_loss

if __name__ == "__main__":
    import jax
    _d = setup_inputs()
    print(jax.jit(kernel)(*tuple(_d.values())))

</pallas_src>

<mosaic_0001>
#map = affine_map<(d0, d1) -> (0)>
#map1 = affine_map<(d0, d1) -> (0, 0)>
module attributes {stable_mosaic.version = 14 : i64} {
  func.func @_sc_pass_kernel(%arg0: i32, %arg1: i32, %arg2: memref<4194304xf32, #tpu.memory_space<hbm>>, %arg3: memref<4194304xf32, #tpu.memory_space<hbm>>, %arg4: memref<32x17424xf32, #tpu.memory_space<hbm>>, %arg5: memref<32x17424xf32, #tpu.memory_space<hbm>>, %arg6: memref<32x16xf32, #tpu.memory_space<hbm>>, %arg7: memref<8192xf32, #tpu.memory_space<vmem>>, %arg8: memref<8192xf32, #tpu.memory_space<vmem>>, %arg9: memref<8192xf32, #tpu.memory_space<vmem>>, %arg10: memref<8192xf32, #tpu.memory_space<vmem>>, %arg11: memref<17424xf32, #tpu.memory_space<vmem>>, %arg12: memref<17424xf32, #tpu.memory_space<vmem>>, %arg13: memref<16xf32, #tpu.memory_space<vmem>>, %arg14: memref<2x2x!tpu.dma_semaphore, #tpu.memory_space<semaphore_mem>>) attributes {dimension_semantics = [#tpu.dimension_semantics<core_parallel>, #tpu.dimension_semantics<subcore_parallel>], iteration_bounds = array<i64: 2, 16>, scalar_prefetch = 0 : i64, scratch_operands = 8 : i64, tpu.core_type = #tpu.core_type<sc_vector_subcore>, window_params = [{transform_indices = #map}, {transform_indices = #map}, {transform_indices = #map1}, {transform_indices = #map1}, {transform_indices = #map1}]} {
    %mul3A = arith.constant 2 : i32
    %mul3A_0 = arith.muli %arg1, %mul3A : i32
    %add3A = arith.addi %mul3A_0, %arg0 : i32
    %mul3A_1 = arith.constant 131072 : i32
    %mul3A_2 = arith.muli %add3A, %mul3A_1 : i32
    %broadcast_in_dim3A = arith.constant 0.000000e+00 : f32
    %broadcast_in_dim3A_3 = vector.broadcast %broadcast_in_dim3A : f32 to vector<16xf32>
    %broadcast_in_dim3A_4 = arith.constant 1.000000e+00 : f32
    %broadcast_in_dim3A_5 = vector.broadcast %broadcast_in_dim3A_4 : f32 to vector<16xf32>
    %iota3A = tpu.iota {dimensions = array<i32: 0>} : vector<16xi32>
    %mul3A_6 = arith.constant 1089 : i32
    %mul3A_7 = vector.broadcast %mul3A_6 : i32 to vector<16xi32>
    %mul3A_8 = arith.muli %iota3A, %mul3A_7 : vector<16xi32>
    %add3A_9 = arith.constant 0 : i32
    %add3A_10 = arith.addi %mul3A_2, %add3A_9 : i32
    %multiple_of3A = tpu.assume_multiple %add3A_10, 8192 : i32
    %dma_start3A = arith.constant 0 : i32
    %dma_start3A_11 = arith.constant 0 : i32
    %dma_start3A_12 = tpu.memref_slice %arg2[%multiple_of3A] : memref<4194304xf32, #tpu.memory_space<hbm>> -> memref<8192xf32, #tpu.memory_space<hbm>>
    %dma_start3A_13 = tpu.memref_slice %arg14[%dma_start3A, %dma_start3A_11] : memref<2x2x!tpu.dma_semaphore, #tpu.memory_space<semaphore_mem>> -> memref<1x1x!tpu.dma_semaphore, #tpu.memory_space<semaphore_mem>>
    %dma_start3A_14 = tpu.memref_squeeze %dma_start3A_13 : memref<1x1x!tpu.dma_semaphore, #tpu.memory_space<semaphore_mem>> -> memref<!tpu.dma_semaphore, #tpu.memory_space<semaphore_mem>>
    %dma_start3A_15 = tpu.memref_slice %arg2[%multiple_of3A] : memref<4194304xf32, #tpu.memory_space<hbm>> -> memref<8192xf32, #tpu.memory_space<hbm>>
    tpu.enqueue_dma source(%dma_start3A_15 : memref<8192xf32, #tpu.memory_space<hbm>>) target(%arg7 : memref<8192xf32, #tpu.memory_space<vmem>>) target_semaphore(%dma_start3A_14 : memref<!tpu.dma_semaphore, #tpu.memory_space<semaphore_mem>>)
    %dma_start3A_16 = arith.constant 0 : i32
    %dma_start3A_17 = arith.constant 1 : i32
    %dma_start3A_18 = tpu.memref_slice %arg3[%multiple_of3A] : memref<4194304xf32, #tpu.memory_space<hbm>> -> memref<8192xf32, #tpu.memory_space<hbm>>
    %dma_start3A_19 = tpu.memref_slice %arg14[%dma_start3A_16, %dma_start3A_17] : memref<2x2x!tpu.dma_semaphore, #tpu.memory_space<semaphore_mem>> -> memref<1x1x!tpu.dma_semaphore, #tpu.memory_space<semaphore_mem>>
    %dma_start3A_20 = tpu.memref_squeeze %dma_start3A_19 : memref<1x1x!tpu.dma_semaphore, #tpu.memory_space<semaphore_mem>> -> memref<!tpu.dma_semaphore, #tpu.memory_space<semaphore_mem>>
    %dma_start3A_21 = tpu.memref_slice %arg3[%multiple_of3A] : memref<4194304xf32, #tpu.memory_space<hbm>> -> memref<8192xf32, #tpu.memory_space<hbm>>
    tpu.enqueue_dma source(%dma_start3A_21 : memref<8192xf32, #tpu.memory_space<hbm>>) target(%arg9 : memref<8192xf32, #tpu.memory_space<vmem>>) target_semaphore(%dma_start3A_20 : memref<!tpu.dma_semaphore, #tpu.memory_space<semaphore_mem>>)
    %add3A_22 = arith.constant 8192 : i32
    %add3A_23 = arith.addi %mul3A_2, %add3A_22 : i32
    %multiple_of3A_24 = tpu.assume_multiple %add3A_23, 8192 : i32
    %dma_start3A_25 = arith.constant 1 : i32
    %dma_start3A_26 = arith.constant 0 : i32
    %dma_start3A_27 = tpu.memref_slice %arg2[%multiple_of3A_24] : memref<4194304xf32, #tpu.memory_space<hbm>> -> memref<8192xf32, #tpu.memory_space<hbm>>
    %dma_start3A_28 = tpu.memref_slice %arg14[%dma_start3A_25, %dma_start3A_26] : memref<2x2x!tpu.dma_semaphore, #tpu.memory_space<semaphore_mem>> -> memref<1x1x!tpu.dma_semaphore, #tpu.memory_space<semaphore_mem>>
    %dma_start3A_29 = tpu.memref_squeeze %dma_start3A_28 : memref<1x1x!tpu.dma_semaphore, #tpu.memory_space<semaphore_mem>> -> memref<!tpu.dma_semaphore, #tpu.memory_space<semaphore_mem>>
    %dma_start3A_30 = tpu.memref_slice %arg2[%multiple_of3A_24] : memref<4194304xf32, #tpu.memory_space<hbm>> -> memref<8192xf32, #tpu.memory_space<hbm>>
    tpu.enqueue_dma source(%dma_start3A_30 : memref<8192xf32, #tpu.memory_space<hbm>>) target(%arg8 : memref<8192xf32, #tpu.memory_space<vmem>>) target_semaphore(%dma_start3A_29 : memref<!tpu.dma_semaphore, #tpu.memory_space<semaphore_mem>>)
    %dma_start3A_31 = arith.constant 1 : i32
    %dma_start3A_32 = arith.constant 1 : i32
    %dma_start3A_33 = tpu.memref_slice %arg3[%multiple_of3A_24] : memref<4194304xf32, #tpu.memory_space<hbm>> -> memref<8192xf32, #tpu.memory_space<hbm>>
    %dma_start3A_34 = tpu.memref_slice %arg14[%dma_start3A_31, %dma_start3A_32] : memref<2x2x!tpu.dma_semaphore, #tpu.memory_space<semaphore_mem>> -> memref<1x1x!tpu.dma_semaphore, #tpu.memory_space<semaphore_mem>>
    %dma_start3A_35 = tpu.memref_squeeze %dma_start3A_34 : memref<1x1x!tpu.dma_semaphore, #tpu.memory_space<semaphore_mem>> -> memref<!tpu.dma_semaphore, #tpu.memory_space<semaphore_mem>>
    %dma_start3A_36 = tpu.memref_slice %arg3[%multiple_of3A_24] : memref<4194304xf32, #tpu.memory_space<hbm>> -> memref<8192xf32, #tpu.memory_space<hbm>>
    tpu.enqueue_dma source(%dma_start3A_36 : memref<8192xf32, #tpu.memory_space<hbm>>) target(%arg10 : memref<8192xf32, #tpu.memory_space<vmem>>) target_semaphore(%dma_start3A_35 : memref<!tpu.dma_semaphore, #tpu.memory_space<semaphore_mem>>)
    %scan3A = arith.constant 0 : i32
    %scan3A_37 = arith.constant 1089 : i32
    %scan3A_38 = arith.addi %scan3A, %scan3A_37 : i32
    %scan3A_39 = arith.constant 1 : i32
    scf.for %scan3A_84 = %scan3A to %scan3A_38 step %scan3A_39  : i32 {
      %mul3A_85 = arith.constant 16 : i32
      %mul3A_86 = arith.muli %scan3A_84, %mul3A_85 : i32
      %add3A_87 = arith.constant 0 : i32
      %add3A_88 = arith.addi %add3A_87, %mul3A_86 : i32
      %multiple_of3A_89 = tpu.assume_multiple %add3A_88, 16 : i32
      %swap3A_90 = arith.index_cast %multiple_of3A_89 : i32 to index
      %swap3A_91 = tpu.vector_load %arg11[%swap3A_90] {strides = array<i32>} : memref<17424xf32, #tpu.memory_space<vmem>>, vector<16xf32>,
      tpu.vector_store %arg11[%swap3A_90], %broadcast_in_dim3A_3 {strides = array<i32>} : memref<17424xf32, #tpu.memory_space<vmem>>, vector<16xf32>,
      %swap3A_92 = arith.index_cast %multiple_of3A_89 : i32 to index
      %swap3A_93 = tpu.vector_load %arg12[%swap3A_92] {strides = array<i32>} : memref<17424xf32, #tpu.memory_space<vmem>>, vector<16xf32>,
      tpu.vector_store %arg12[%swap3A_92], %broadcast_in_dim3A_3 {strides = array<i32>} : memref<17424xf32, #tpu.memory_space<vmem>>, vector<16xf32>,
    }
    %scan3A_40 = arith.constant 1089 : i32
    %scan3A_41 = arith.constant 0 : i32
    %scan3A_42 = arith.constant 7 : i32
    %scan3A_43 = arith.addi %scan3A_41, %scan3A_42 : i32
    %scan3A_44 = arith.constant 1 : i32
    %scan3A_45 = scf.for %scan3A_84 = %scan3A_41 to %scan3A_43 step %scan3A_44 iter_args(%scan3A_85 = %broadcast_in_dim3A_3) -> (vector<16xf32>)  : i32 {
      %mul3A_86 = arith.constant 2 : i32
      %mul3A_87 = arith.muli %scan3A_84, %mul3A_86 : i32
      %mul3A_88 = arith.constant 8192 : i32
      %mul3A_89 = arith.muli %mul3A_87, %mul3A_88 : i32
      %add3A_90 = arith.addi %mul3A_2, %mul3A_89 : i32
      %multiple_of3A_91 = tpu.assume_multiple %add3A_90, 8192 : i32
      %dma_wait3A_92 = arith.constant 0 : i32
      %dma_wait3A_93 = arith.constant 0 : i32
      %dma_wait3A_94 = tpu.memref_slice %arg2[%multiple_of3A_91] : memref<4194304xf32, #tpu.memory_space<hbm>> -> memref<8192xf32, #tpu.memory_space<hbm>>
      %dma_wait3A_95 = tpu.memref_slice %arg14[%dma_wait3A_92, %dma_wait3A_93] : memref<2x2x!tpu.dma_semaphore, #tpu.memory_space<semaphore_mem>> -> memref<1x1x!tpu.dma_semaphore, #tpu.memory_space<semaphore_mem>>
      %dma_wait3A_96 = tpu.memref_squeeze %dma_wait3A_95 : memref<1x1x!tpu.dma_semaphore, #tpu.memory_space<semaphore_mem>> -> memref<!tpu.dma_semaphore, #tpu.memory_space<semaphore_mem>>
      %dma_wait3A_97 = tpu.memref_slice %arg2[%multiple_of3A_91] : memref<4194304xf32, #tpu.memory_space<hbm>> -> memref<8192xf32, #tpu.memory_space<hbm>>
      tpu.wait_dma2 semaphore(%dma_wait3A_96 : memref<!tpu.dma_semaphore, #tpu.memory_space<semaphore_mem>>) src(%dma_wait3A_97 : memref<8192xf32, #tpu.memory_space<hbm>>) dst(%arg7 : memref<8192xf32, #tpu.memory_space<vmem>>)
      %dma_wait3A_98 = arith.constant 0 : i32
      %dma_wait3A_99 = arith.constant 1 : i32
      %dma_wait3A_100 = tpu.memref_slice %arg3[%multiple_of3A_91] : memref<4194304xf32, #tpu.memory_space<hbm>> -> memref<8192xf32, #tpu.memory_space<hbm>>
      %dma_wait3A_101 = tpu.memref_slice %arg14[%dma_wait3A_98, %dma_wait3A_99] : memref<2x2x!tpu.dma_semaphore, #tpu.memory_space<semaphore_mem>> -> memref<1x1x!tpu.dma_semaphore, #tpu.memory_space<semaphore_mem>>
      %dma_wait3A_102 = tpu.memref_squeeze %dma_wait3A_101 : memref<1x1x!tpu.dma_semaphore, #tpu.memory_space<semaphore_mem>> -> memref<!tpu.dma_semaphore, #tpu.memory_space<semaphore_mem>>
      %dma_wait3A_103 = tpu.memref_slice %arg3[%multiple_of3A_91] : memref<4194304xf32, #tpu.memory_space<hbm>> -> memref<8192xf32, #tpu.memory_space<hbm>>
      tpu.wait_dma2 semaphore(%dma_wait3A_102 : memref<!tpu.dma_semaphore, #tpu.memory_space<semaphore_mem>>) src(%dma_wait3A_103 : memref<8192xf32, #tpu.memory_space<hbm>>) dst(%arg9 : memref<8192xf32, #tpu.memory_space<vmem>>)
      %parallel_loop3A_104 = arith.constant 0 : i32
      %parallel_loop3A_105 = arith.constant 512 : i32
      %parallel_loop3A_106 = arith.constant 1 : i32
      %parallel_loop3A_107 = scf.for %parallel_loop3A_168 = %parallel_loop3A_104 to %parallel_loop3A_105 step %parallel_loop3A_106 iter_args(%parallel_loop3A_169 = %scan3A_85) -> (vector<16xf32>)  : i32 {
        %parallel_loop3A_170 = arith.constant 16 : i32
        %parallel_loop3A_171 = arith.muli %parallel_loop3A_168, %parallel_loop3A_170 : i32
        %parallel_loop3A_172 = tpu.assume_multiple %parallel_loop3A_171, 16 : i32
        %parallel_loop3A_173 = arith.index_cast %parallel_loop3A_172 : i32 to index
        %parallel_loop3A_174 = tpu.vector_load %arg7[%parallel_loop3A_173] {strides = array<i32>} : memref<8192xf32, #tpu.memory_space<vmem>>, vector<16xf32>,
        %parallel_loop3A_175 = arith.index_cast %parallel_loop3A_172 : i32 to index
        %parallel_loop3A_176 = tpu.vector_load %arg9[%parallel_loop3A_175] {strides = array<i32>} : memref<8192xf32, #tpu.memory_space<vmem>>, vector<16xf32>,
        %parallel_loop3A_177 = arith.constant 0.000000e+00 : f32
        %parallel_loop3A_178 = vector.broadcast %parallel_loop3A_177 : f32 to vector<16xf32>
        %parallel_loop3A_179 = arith.cmpf ogt, %parallel_loop3A_176, %parallel_loop3A_178 : vector<16xf32>
        %parallel_loop3A_180 = arith.subf %parallel_loop3A_174, %parallel_loop3A_176 : vector<16xf32>
        %parallel_loop3A_181 = math.absf %parallel_loop3A_180 : vector<16xf32>
        %parallel_loop3A_182 = arith.constant 1.000000e+00 : f32
        %parallel_loop3A_183 = vector.broadcast %parallel_loop3A_182 : f32 to vector<16xf32>
        %parallel_loop3A_184 = arith.cmpf olt, %parallel_loop3A_181, %parallel_loop3A_183 : vector<16xf32>
        %parallel_loop3A_185 = arith.constant 5.000000e-01 : f32
        %parallel_loop3A_186 = vector.broadcast %parallel_loop3A_185 : f32 to vector<16xf32>
        %parallel_loop3A_187 = arith.mulf %parallel_loop3A_186, %parallel_loop3A_180 : vector<16xf32>
        %parallel_loop3A_188 = arith.mulf %parallel_loop3A_187, %parallel_loop3A_180 : vector<16xf32>
        %parallel_loop3A_189 = arith.constant 5.000000e-01 : f32
        %parallel_loop3A_190 = vector.broadcast %parallel_loop3A_189 : f32 to vector<16xf32>
        %parallel_loop3A_191 = arith.subf %parallel_loop3A_181, %parallel_loop3A_190 : vector<16xf32>
        %parallel_loop3A_192 = arith.select %parallel_loop3A_184, %parallel_loop3A_188, %parallel_loop3A_191 : vector<16xi1>, vector<16xf32>
        %parallel_loop3A_193 = arith.constant 0.000000e+00 : f32
        %parallel_loop3A_194 = vector.broadcast %parallel_loop3A_193 : f32 to vector<16xf32>
        %parallel_loop3A_195 = arith.select %parallel_loop3A_179, %parallel_loop3A_194, %parallel_loop3A_181 : vector<16xi1>, vector<16xf32>
        %parallel_loop3A_196 = arith.constant 15.984375 : f32
        %parallel_loop3A_197 = vector.broadcast %parallel_loop3A_196 : f32 to vector<16xf32>
        %parallel_loop3A_198 = arith.minimumf %parallel_loop3A_195, %parallel_loop3A_197 : vector<16xf32>
        %parallel_loop3A_199 = arith.constant 6.400000e+01 : f32
        %parallel_loop3A_200 = vector.broadcast %parallel_loop3A_199 : f32 to vector<16xf32>
        %parallel_loop3A_201 = arith.mulf %parallel_loop3A_198, %parallel_loop3A_200 : vector<16xf32>
        %parallel_loop3A_202 = arith.fptosi %parallel_loop3A_201 : vector<16xf32> to vector<16xi32>
        %parallel_loop3A_203 = arith.constant 8192 : i32
        %parallel_loop3A_204 = arith.muli %mul3A_87, %parallel_loop3A_203 : i32
        %parallel_loop3A_205 = arith.constant 16 : i32
        %parallel_loop3A_206 = arith.muli %parallel_loop3A_168, %parallel_loop3A_205 : i32
        %parallel_loop3A_207 = arith.addi %parallel_loop3A_204, %parallel_loop3A_206 : i32
        %parallel_loop3A_208 = arith.constant 2048 : i32
        %parallel_loop3A_209 = arith.divsi %parallel_loop3A_207, %parallel_loop3A_208 : i32
        %parallel_loop3A_210 = arith.constant 0 : i32
        %parallel_loop3A_211 = arith.cmpi sgt, %parallel_loop3A_207, %parallel_loop3A_210 : i32
        %parallel_loop3A_212 = arith.extui %parallel_loop3A_211 : i1 to i32
        %parallel_loop3A_213 = arith.constant 0 : i32
        %parallel_loop3A_214 = arith.cmpi slt, %parallel_loop3A_207, %parallel_loop3A_213 : i32
        %parallel_loop3A_215 = arith.extui %parallel_loop3A_214 : i1 to i32
        %parallel_loop3A_216 = arith.subi %parallel_loop3A_212, %parallel_loop3A_215 : i32
        %parallel_loop3A_217 = arith.constant 0 : i32
        %parallel_loop3A_218 = arith.cmpi sgt, %parallel_loop3A_208, %parallel_loop3A_217 : i32
        %parallel_loop3A_219 = arith.extui %parallel_loop3A_218 : i1 to i32
        %parallel_loop3A_220 = arith.constant 0 : i32
        %parallel_loop3A_221 = arith.cmpi slt, %parallel_loop3A_208, %parallel_loop3A_220 : i32
        %parallel_loop3A_222 = arith.extui %parallel_loop3A_221 : i1 to i32
        %parallel_loop3A_223 = arith.subi %parallel_loop3A_219, %parallel_loop3A_222 : i32
        %parallel_loop3A_224 = arith.cmpi ne, %parallel_loop3A_216, %parallel_loop3A_223 : i32
        %parallel_loop3A_225 = arith.remsi %parallel_loop3A_207, %parallel_loop3A_208 : i32
        %parallel_loop3A_226 = arith.constant 0 : i32
        %parallel_loop3A_227 = arith.cmpi ne, %parallel_loop3A_225, %parallel_loop3A_226 : i32
        %parallel_loop3A_228 = arith.andi %parallel_loop3A_224, %parallel_loop3A_227 : i1
        %parallel_loop3A_229 = arith.constant 1 : i32
        %parallel_loop3A_230 = arith.subi %parallel_loop3A_209, %parallel_loop3A_229 : i32
        %parallel_loop3A_231 = arith.select %parallel_loop3A_228, %parallel_loop3A_230, %parallel_loop3A_209 : i32
        %parallel_loop3A_232 = arith.constant 1024 : i32
        %parallel_loop3A_233 = arith.addi %parallel_loop3A_232, %parallel_loop3A_231 : i32
        %parallel_loop3A_234 = arith.constant 0.000000e+00 : f32
        %parallel_loop3A_235 = vector.broadcast %parallel_loop3A_234 : f32 to vector<16xf32>
        %parallel_loop3A_236 = arith.cmpf oeq, %parallel_loop3A_195, %parallel_loop3A_235 : vector<16xf32>
        %parallel_loop3A_237 = vector.broadcast %parallel_loop3A_233 : i32 to vector<16xi32>
        %parallel_loop3A_238 = arith.select %parallel_loop3A_236, %parallel_loop3A_237, %parallel_loop3A_202 : vector<16xi1>, vector<16xi32>
        %parallel_loop3A_239 = arith.addi %mul3A_8, %parallel_loop3A_238 : vector<16xi32>
        tpu.vector_store_idx %arg11[%parallel_loop3A_239], %broadcast_in_dim3A_5 {add = true} : memref<17424xf32, #tpu.memory_space<vmem>>[vector<16xi32>], vector<16xf32>,
        tpu.vector_store_idx %arg12[%parallel_loop3A_239], %parallel_loop3A_192 {add = true} : memref<17424xf32, #tpu.memory_space<vmem>>[vector<16xi32>], vector<16xf32>,
        %parallel_loop3A_240 = arith.constant 1.000000e+00 : f32
        %parallel_loop3A_241 = arith.constant 0.000000e+00 : f32
        %parallel_loop3A_242 = vector.broadcast %parallel_loop3A_240 : f32 to vector<16xf32>
        %parallel_loop3A_243 = vector.broadcast %parallel_loop3A_241 : f32 to vector<16xf32>
        %parallel_loop3A_244 = arith.select %parallel_loop3A_179, %parallel_loop3A_242, %parallel_loop3A_243 : vector<16xi1>, vector<16xf32>
        %parallel_loop3A_245 = arith.addf %parallel_loop3A_169, %parallel_loop3A_244 : vector<16xf32>
        scf.yield %parallel_loop3A_245 : vector<16xf32>
      } {sc.loop_unroll_factor = 8 : i64, sc.parallel_access}
      %add3A_108 = arith.constant 2 : i32
      %add3A_109 = arith.addi %mul3A_87, %add3A_108 : i32
      %mul3A_110 = arith.constant 8192 : i32
      %mul3A_111 = arith.muli %add3A_109, %mul3A_110 : i32
      %add3A_112 = arith.addi %mul3A_2, %mul3A_111 : i32
      %multiple_of3A_113 = tpu.assume_multiple %add3A_112, 8192 : i32
      %dma_start3A_114 = arith.constant 0 : i32
      %dma_start3A_115 = arith.constant 0 : i32
      %dma_start3A_116 = tpu.memref_slice %arg2[%multiple_of3A_113] : memref<4194304xf32, #tpu.memory_space<hbm>> -> memref<8192xf32, #tpu.memory_space<hbm>>
      %dma_start3A_117 = tpu.memref_slice %arg14[%dma_start3A_114, %dma_start3A_115] : memref<2x2x!tpu.dma_semaphore, #tpu.memory_space<semaphore_mem>> -> memref<1x1x!tpu.dma_semaphore, #tpu.memory_space<semaphore_mem>>
      %dma_start3A_118 = tpu.memref_squeeze %dma_start3A_117 : memref<1x1x!tpu.dma_semaphore, #tpu.memory_space<semaphore_mem>> -> memref<!tpu.dma_semaphore, #tpu.memory_space<semaphore_mem>>
      %dma_start3A_119 = tpu.memref_slice %arg2[%multiple_of3A_113] : memref<4194304xf32, #tpu.memory_space<hbm>> -> memref<8192xf32, #tpu.memory_space<hbm>>
      tpu.enqueue_dma source(%dma_start3A_119 : memref<8192xf32, #tpu.memory_space<hbm>>) target(%arg7 : memref<8192xf32, #tpu.memory_space<vmem>>) target_semaphore(%dma_start3A_118 : memref<!tpu.dma_semaphore, #tpu.memory_space<semaphore_mem>>)
      %dma_start3A_120 = arith.constant 0 : i32
      %dma_start3A_121 = arith.constant 1 : i32
      %dma_start3A_122 = tpu.memref_slice %arg3[%multiple_of3A_113] : memref<4194304xf32, #tpu.memory_space<hbm>> -> memref<8192xf32, #tpu.memory_space<hbm>>
      %dma_start3A_123 = tpu.memref_slice %arg14[%dma_start3A_120, %dma_start3A_121] : memref<2x2x!tpu.dma_semaphore, #tpu.memory_space<semaphore_mem>> -> memref<1x1x!tpu.dma_semaphore, #tpu.memory_space<semaphore_mem>>
      %dma_start3A_124 = tpu.memref_squeeze %dma_start3A_123 : memref<1x1x!tpu.dma_semaphore, #tpu.memory_space<semaphore_mem>> -> memref<!tpu.dma_semaphore, #tpu.memory_space<semaphore_mem>>
      %dma_start3A_125 = tpu.memref_slice %arg3[%multiple_of3A_113] : memref<4194304xf32, #tpu.memory_space<hbm>> -> memref<8192xf32, #tpu.memory_space<hbm>>
      tpu.enqueue_dma source(%dma_start3A_125 : memref<8192xf32, #tpu.memory_space<hbm>>) target(%arg9 : memref<8192xf32, #tpu.memory_space<vmem>>) target_semaphore(%dma_start3A_124 : memref<!tpu.dma_semaphore, #tpu.memory_space<semaphore_mem>>)
      %add3A_126 = arith.constant 1 : i32
      %add3A_127 = arith.addi %mul3A_87, %add3A_126 : i32
      %mul3A_128 = arith.constant 8192 : i32
      %mul3A_129 = arith.muli %add3A_127, %mul3A_128 : i32
      %add3A_130 = arith.addi %mul3A_2, %mul3A_129 : i32
      %multiple_of3A_131 = tpu.assume_multiple %add3A_130, 8192 : i32
      %dma_wait3A_132 = arith.constant 1 : i32
      %dma_wait3A_133 = arith.constant 0 : i32
      %dma_wait3A_134 = tpu.memref_slice %arg2[%multiple_of3A_131] : memref<4194304xf32, #tpu.memory_space<hbm>> -> memref<8192xf32, #tpu.memory_space<hbm>>
      %dma_wait3A_135 = tpu.memref_slice %arg14[%dma_wait3A_132, %dma_wait3A_133] : memref<2x2x!tpu.dma_semaphore, #tpu.memory_space<semaphore_mem>> -> memref<1x1x!tpu.dma_semaphore, #tpu.memory_space<semaphore_mem>>
      %dma_wait3A_136 = tpu.memref_squeeze %dma_wait3A_135 : memref<1x1x!tpu.dma_semaphore, #tpu.memory_space<semaphore_mem>> -> memref<!tpu.dma_semaphore, #tpu.memory_space<semaphore_mem>>
      %dma_wait3A_137 = tpu.memref_slice %arg2[%multiple_of3A_131] : memref<4194304xf32, #tpu.memory_space<hbm>> -> memref<8192xf32, #tpu.memory_space<hbm>>
      tpu.wait_dma2 semaphore(%dma_wait3A_136 : memref<!tpu.dma_semaphore, #tpu.memory_space<semaphore_mem>>) src(%dma_wait3A_137 : memref<8192xf32, #tpu.memory_space<hbm>>) dst(%arg8 : memref<8192xf32, #tpu.memory_space<vmem>>)
      %dma_wait3A_138 = arith.constant 1 : i32
      %dma_wait3A_139 = arith.constant 1 : i32
      %dma_wait3A_140 = tpu.memref_slice %arg3[%multiple_of3A_131] : memref<4194304xf32, #tpu.memory_space<hbm>> -> memref<8192xf32, #tpu.memory_space<hbm>>
      %dma_wait3A_141 = tpu.memref_slice %arg14[%dma_wait3A_138, %dma_wait3A_139] : memref<2x2x!tpu.dma_semaphore, #tpu.memory_space<semaphore_mem>> -> memref<1x1x!tpu.dma_semaphore, #tpu.memory_space<semaphore_mem>>
      %dma_wait3A_142 = tpu.memref_squeeze %dma_wait3A_141 : memref<1x1x!tpu.dma_semaphore, #tpu.memory_space<semaphore_mem>> -> memref<!tpu.dma_semaphore, #tpu.memory_space<semaphore_mem>>
      %dma_wait3A_143 = tpu.memref_slice %arg3[%multiple_of3A_131] : memref<4194304xf32, #tpu.memory_space<hbm>> -> memref<8192xf32, #tpu.memory_space<hbm>>
      tpu.wait_dma2 semaphore(%dma_wait3A_142 : memref<!tpu.dma_semaphore, #tpu.memory_space<semaphore_mem>>) src(%dma_wait3A_143 : memref<8192xf32, #tpu.memory_space<hbm>>) dst(%arg10 : memref<8192xf32, #tpu.memory_space<vmem>>)
      %add3A_144 = arith.constant 1 : i32
      %add3A_145 = arith.addi %mul3A_87, %add3A_144 : i32
      %parallel_loop3A_146 = arith.constant 0 : i32
      %parallel_loop3A_147 = arith.constant 512 : i32
      %parallel_loop3A_148 = arith.constant 1 : i32
      %parallel_loop3A_149 = scf.for %parallel_loop3A_168 = %parallel_loop3A_146 to %parallel_loop3A_147 step %parallel_loop3A_148 iter_args(%parallel_loop3A_169 = %parallel_loop3A_107) -> (vector<16xf32>)  : i32 {
        %parallel_loop3A_170 = arith.constant 16 : i32
        %parallel_loop3A_171 = arith.muli %parallel_loop3A_168, %parallel_loop3A_170 : i32
        %parallel_loop3A_172 = tpu.assume_multiple %parallel_loop3A_171, 16 : i32
        %parallel_loop3A_173 = arith.index_cast %parallel_loop3A_172 : i32 to index
        %parallel_loop3A_174 = tpu.vector_load %arg8[%parallel_loop3A_173] {strides = array<i32>} : memref<8192xf32, #tpu.memory_space<vmem>>, vector<16xf32>,
        %parallel_loop3A_175 = arith.index_cast %parallel_loop3A_172 : i32 to index
        %parallel_loop3A_176 = tpu.vector_load %arg10[%parallel_loop3A_175] {strides = array<i32>} : memref<8192xf32, #tpu.memory_space<vmem>>, vector<16xf32>,
        %parallel_loop3A_177 = arith.constant 0.000000e+00 : f32
        %parallel_loop3A_178 = vector.broadcast %parallel_loop3A_177 : f32 to vector<16xf32>
        %parallel_loop3A_179 = arith.cmpf ogt, %parallel_loop3A_176, %parallel_loop3A_178 : vector<16xf32>
        %parallel_loop3A_180 = arith.subf %parallel_loop3A_174, %parallel_loop3A_176 : vector<16xf32>
        %parallel_loop3A_181 = math.absf %parallel_loop3A_180 : vector<16xf32>
        %parallel_loop3A_182 = arith.constant 1.000000e+00 : f32
        %parallel_loop3A_183 = vector.broadcast %parallel_loop3A_182 : f32 to vector<16xf32>
        %parallel_loop3A_184 = arith.cmpf olt, %parallel_loop3A_181, %parallel_loop3A_183 : vector<16xf32>
        %parallel_loop3A_185 = arith.constant 5.000000e-01 : f32
        %parallel_loop3A_186 = vector.broadcast %parallel_loop3A_185 : f32 to vector<16xf32>
        %parallel_loop3A_187 = arith.mulf %parallel_loop3A_186, %parallel_loop3A_180 : vector<16xf32>
        %parallel_loop3A_188 = arith.mulf %parallel_loop3A_187, %parallel_loop3A_180 : vector<16xf32>
        %parallel_loop3A_189 = arith.constant 5.000000e-01 : f32
        %parallel_loop3A_190 = vector.broadcast %parallel_loop3A_189 : f32 to vector<16xf32>
        %parallel_loop3A_191 = arith.subf %parallel_loop3A_181, %parallel_loop3A_190 : vector<16xf32>
        %parallel_loop3A_192 = arith.select %parallel_loop3A_184, %parallel_loop3A_188, %parallel_loop3A_191 : vector<16xi1>, vector<16xf32>
        %parallel_loop3A_193 = arith.constant 0.000000e+00 : f32
        %parallel_loop3A_194 = vector.broadcast %parallel_loop3A_193 : f32 to vector<16xf32>
        %parallel_loop3A_195 = arith.select %parallel_loop3A_179, %parallel_loop3A_194, %parallel_loop3A_181 : vector<16xi1>, vector<16xf32>
        %parallel_loop3A_196 = arith.constant 15.984375 : f32
        %parallel_loop3A_197 = vector.broadcast %parallel_loop3A_196 : f32 to vector<16xf32>
        %parallel_loop3A_198 = arith.minimumf %parallel_loop3A_195, %parallel_loop3A_197 : vector<16xf32>
        %parallel_loop3A_199 = arith.constant 6.400000e+01 : f32
        %parallel_loop3A_200 = vector.broadcast %parallel_loop3A_199 : f32 to vector<16xf32>
        %parallel_loop3A_201 = arith.mulf %parallel_loop3A_198, %parallel_loop3A_200 : vector<16xf32>
        %parallel_loop3A_202 = arith.fptosi %parallel_loop3A_201 : vector<16xf32> to vector<16xi32>
        %parallel_loop3A_203 = arith.constant 8192 : i32
        %parallel_loop3A_204 = arith.muli %add3A_145, %parallel_loop3A_203 : i32
        %parallel_loop3A_205 = arith.constant 16 : i32
        %parallel_loop3A_206 = arith.muli %parallel_loop3A_168, %parallel_loop3A_205 : i32
        %parallel_loop3A_207 = arith.addi %parallel_loop3A_204, %parallel_loop3A_206 : i32
        %parallel_loop3A_208 = arith.constant 2048 : i32
        %parallel_loop3A_209 = arith.divsi %parallel_loop3A_207, %parallel_loop3A_208 : i32
        %parallel_loop3A_210 = arith.constant 0 : i32
        %parallel_loop3A_211 = arith.cmpi sgt, %parallel_loop3A_207, %parallel_loop3A_210 : i32
        %parallel_loop3A_212 = arith.extui %parallel_loop3A_211 : i1 to i32
        %parallel_loop3A_213 = arith.constant 0 : i32
        %parallel_loop3A_214 = arith.cmpi slt, %parallel_loop3A_207, %parallel_loop3A_213 : i32
        %parallel_loop3A_215 = arith.extui %parallel_loop3A_214 : i1 to i32
        %parallel_loop3A_216 = arith.subi %parallel_loop3A_212, %parallel_loop3A_215 : i32
        %parallel_loop3A_217 = arith.constant 0 : i32
        %parallel_loop3A_218 = arith.cmpi sgt, %parallel_loop3A_208, %parallel_loop3A_217 : i32
        %parallel_loop3A_219 = arith.extui %parallel_loop3A_218 : i1 to i32
        %parallel_loop3A_220 = arith.constant 0 : i32
        %parallel_loop3A_221 = arith.cmpi slt, %parallel_loop3A_208, %parallel_loop3A_220 : i32
        %parallel_loop3A_222 = arith.extui %parallel_loop3A_221 : i1 to i32
        %parallel_loop3A_223 = arith.subi %parallel_loop3A_219, %parallel_loop3A_222 : i32
        %parallel_loop3A_224 = arith.cmpi ne, %parallel_loop3A_216, %parallel_loop3A_223 : i32
        %parallel_loop3A_225 = arith.remsi %parallel_loop3A_207, %parallel_loop3A_208 : i32
        %parallel_loop3A_226 = arith.constant 0 : i32
        %parallel_loop3A_227 = arith.cmpi ne, %parallel_loop3A_225, %parallel_loop3A_226 : i32
        %parallel_loop3A_228 = arith.andi %parallel_loop3A_224, %parallel_loop3A_227 : i1
        %parallel_loop3A_229 = arith.constant 1 : i32
        %parallel_loop3A_230 = arith.subi %parallel_loop3A_209, %parallel_loop3A_229 : i32
        %parallel_loop3A_231 = arith.select %parallel_loop3A_228, %parallel_loop3A_230, %parallel_loop3A_209 : i32
        %parallel_loop3A_232 = arith.constant 1024 : i32
        %parallel_loop3A_233 = arith.addi %parallel_loop3A_232, %parallel_loop3A_231 : i32
        %parallel_loop3A_234 = arith.constant 0.000000e+00 : f32
        %parallel_loop3A_235 = vector.broadcast %parallel_loop3A_234 : f32 to vector<16xf32>
        %parallel_loop3A_236 = arith.cmpf oeq, %parallel_loop3A_195, %parallel_loop3A_235 : vector<16xf32>
        %parallel_loop3A_237 = vector.broadcast %parallel_loop3A_233 : i32 to vector<16xi32>
        %parallel_loop3A_238 = arith.select %parallel_loop3A_236, %parallel_loop3A_237, %parallel_loop3A_202 : vector<16xi1>, vector<16xi32>
        %parallel_loop3A_239 = arith.addi %mul3A_8, %parallel_loop3A_238 : vector<16xi32>
        tpu.vector_store_idx %arg11[%parallel_loop3A_239], %broadcast_in_dim3A_5 {add = true} : memref<17424xf32, #tpu.memory_space<vmem>>[vector<16xi32>], vector<16xf32>,
        tpu.vector_store_idx %arg12[%parallel_loop3A_239], %parallel_loop3A_192 {add = true} : memref<17424xf32, #tpu.memory_space<vmem>>[vector<16xi32>], vector<16xf32>,
        %parallel_loop3A_240 = arith.constant 1.000000e+00 : f32
        %parallel_loop3A_241 = arith.constant 0.000000e+00 : f32
        %parallel_loop3A_242 = vector.broadcast %parallel_loop3A_240 : f32 to vector<16xf32>
        %parallel_loop3A_243 = vector.broadcast %parallel_loop3A_241 : f32 to vector<16xf32>
        %parallel_loop3A_244 = arith.select %parallel_loop3A_179, %parallel_loop3A_242, %parallel_loop3A_243 : vector<16xi1>, vector<16xf32>
        %parallel_loop3A_245 = arith.addf %parallel_loop3A_169, %parallel_loop3A_244 : vector<16xf32>
        scf.yield %parallel_loop3A_245 : vector<16xf32>
      } {sc.loop_unroll_factor = 8 : i64, sc.parallel_access}
      %add3A_150 = arith.constant 3 : i32
      %add3A_151 = arith.addi %mul3A_87, %add3A_150 : i32
      %mul3A_152 = arith.constant 8192 : i32
      %mul3A_153 = arith.muli %add3A_151, %mul3A_152 : i32
      %add3A_154 = arith.addi %mul3A_2, %mul3A_153 : i32
      %multiple_of3A_155 = tpu.assume_multiple %add3A_154, 8192 : i32
      %dma_start3A_156 = arith.constant 1 : i32
      %dma_start3A_157 = arith.constant 0 : i32
      %dma_start3A_158 = tpu.memref_slice %arg2[%multiple_of3A_155] : memref<4194304xf32, #tpu.memory_space<hbm>> -> memref<8192xf32, #tpu.memory_space<hbm>>
      %dma_start3A_159 = tpu.memref_slice %arg14[%dma_start3A_156, %dma_start3A_157] : memref<2x2x!tpu.dma_semaphore, #tpu.memory_space<semaphore_mem>> -> memref<1x1x!tpu.dma_semaphore, #tpu.memory_space<semaphore_mem>>
      %dma_start3A_160 = tpu.memref_squeeze %dma_start3A_159 : memref<1x1x!tpu.dma_semaphore, #tpu.memory_space<semaphore_mem>> -> memref<!tpu.dma_semaphore, #tpu.memory_space<semaphore_mem>>
      %dma_start3A_161 = tpu.memref_slice %arg2[%multiple_of3A_155] : memref<4194304xf32, #tpu.memory_space<hbm>> -> memref<8192xf32, #tpu.memory_space<hbm>>
      tpu.enqueue_dma source(%dma_start3A_161 : memref<8192xf32, #tpu.memory_space<hbm>>) target(%arg8 : memref<8192xf32, #tpu.memory_space<vmem>>) target_semaphore(%dma_start3A_160 : memref<!tpu.dma_semaphore, #tpu.memory_space<semaphore_mem>>)
      %dma_start3A_162 = arith.constant 1 : i32
      %dma_start3A_163 = arith.constant 1 : i32
      %dma_start3A_164 = tpu.memref_slice %arg3[%multiple_of3A_155] : memref<4194304xf32, #tpu.memory_space<hbm>> -> memref<8192xf32, #tpu.memory_space<hbm>>
      %dma_start3A_165 = tpu.memref_slice %arg14[%dma_start3A_162, %dma_start3A_163] : memref<2x2x!tpu.dma_semaphore, #tpu.memory_space<semaphore_mem>> -> memref<1x1x!tpu.dma_semaphore, #tpu.memory_space<semaphore_mem>>
      %dma_start3A_166 = tpu.memref_squeeze %dma_start3A_165 : memref<1x1x!tpu.dma_semaphore, #tpu.memory_space<semaphore_mem>> -> memref<!tpu.dma_semaphore, #tpu.memory_space<semaphore_mem>>
      %dma_start3A_167 = tpu.memref_slice %arg3[%multiple_of3A_155] : memref<4194304xf32, #tpu.memory_space<hbm>> -> memref<8192xf32, #tpu.memory_space<hbm>>
      tpu.enqueue_dma source(%dma_start3A_167 : memref<8192xf32, #tpu.memory_space<hbm>>) target(%arg10 : memref<8192xf32, #tpu.memory_space<vmem>>) target_semaphore(%dma_start3A_166 : memref<!tpu.dma_semaphore, #tpu.memory_space<semaphore_mem>>)
      scf.yield %parallel_loop3A_149 : vector<16xf32>
    }
    %scan3A_46 = arith.constant 7 : i32
    %add3A_47 = arith.constant 114688 : i32
    %add3A_48 = arith.addi %mul3A_2, %add3A_47 : i32
    %multiple_of3A_49 = tpu.assume_multiple %add3A_48, 8192 : i32
    %dma_wait3A = arith.constant 0 : i32
    %dma_wait3A_50 = arith.constant 0 : i32
    %dma_wait3A_51 = tpu.memref_slice %arg2[%multiple_of3A_49] : memref<4194304xf32, #tpu.memory_space<hbm>> -> memref<8192xf32, #tpu.memory_space<hbm>>
    %dma_wait3A_52 = tpu.memref_slice %arg14[%dma_wait3A, %dma_wait3A_50] : memref<2x2x!tpu.dma_semaphore, #tpu.memory_space<semaphore_mem>> -> memref<1x1x!tpu.dma_semaphore, #tpu.memory_space<semaphore_mem>>
    %dma_wait3A_53 = tpu.memref_squeeze %dma_wait3A_52 : memref<1x1x!tpu.dma_semaphore, #tpu.memory_space<semaphore_mem>> -> memref<!tpu.dma_semaphore, #tpu.memory_space<semaphore_mem>>
    %dma_wait3A_54 = tpu.memref_slice %arg2[%multiple_of3A_49] : memref<4194304xf32, #tpu.memory_space<hbm>> -> memref<8192xf32, #tpu.memory_space<hbm>>
    tpu.wait_dma2 semaphore(%dma_wait3A_53 : memref<!tpu.dma_semaphore, #tpu.memory_space<semaphore_mem>>) src(%dma_wait3A_54 : memref<8192xf32, #tpu.memory_space<hbm>>) dst(%arg7 : memref<8192xf32, #tpu.memory_space<vmem>>)
    %dma_wait3A_55 = arith.constant 0 : i32
    %dma_wait3A_56 = arith.constant 1 : i32
    %dma_wait3A_57 = tpu.memref_slice %arg3[%multiple_of3A_49] : memref<4194304xf32, #tpu.memory_space<hbm>> -> memref<8192xf32, #tpu.memory_space<hbm>>
    %dma_wait3A_58 = tpu.memref_slice %arg14[%dma_wait3A_55, %dma_wait3A_56] : memref<2x2x!tpu.dma_semaphore, #tpu.memory_space<semaphore_mem>> -> memref<1x1x!tpu.dma_semaphore, #tpu.memory_space<semaphore_mem>>
    %dma_wait3A_59 = tpu.memref_squeeze %dma_wait3A_58 : memref<1x1x!tpu.dma_semaphore, #tpu.memory_space<semaphore_mem>> -> memref<!tpu.dma_semaphore, #tpu.memory_space<semaphore_mem>>
    %dma_wait3A_60 = tpu.memref_slice %arg3[%multiple_of3A_49] : memref<4194304xf32, #tpu.memory_space<hbm>> -> memref<8192xf32, #tpu.memory_space<hbm>>
    tpu.wait_dma2 semaphore(%dma_wait3A_59 : memref<!tpu.dma_semaphore, #tpu.memory_space<semaphore_mem>>) src(%dma_wait3A_60 : memref<8192xf32, #tpu.memory_space<hbm>>) dst(%arg9 : memref<8192xf32, #tpu.memory_space<vmem>>)
    %parallel_loop3A = arith.constant 0 : i32
    %parallel_loop3A_61 = arith.constant 512 : i32
    %parallel_loop3A_62 = arith.constant 1 : i32
    %parallel_loop3A_63 = scf.for %parallel_loop3A_84 = %parallel_loop3A to %parallel_loop3A_61 step %parallel_loop3A_62 iter_args(%parallel_loop3A_85 = %scan3A_45) -> (vector<16xf32>)  : i32 {
      %parallel_loop3A_86 = arith.constant 16 : i32
      %parallel_loop3A_87 = arith.muli %parallel_loop3A_84, %parallel_loop3A_86 : i32
      %parallel_loop3A_88 = tpu.assume_multiple %parallel_loop3A_87, 16 : i32
      %parallel_loop3A_89 = arith.index_cast %parallel_loop3A_88 : i32 to index
      %parallel_loop3A_90 = tpu.vector_load %arg7[%parallel_loop3A_89] {strides = array<i32>} : memref<8192xf32, #tpu.memory_space<vmem>>, vector<16xf32>,
      %parallel_loop3A_91 = arith.index_cast %parallel_loop3A_88 : i32 to index
      %parallel_loop3A_92 = tpu.vector_load %arg9[%parallel_loop3A_91] {strides = array<i32>} : memref<8192xf32, #tpu.memory_space<vmem>>, vector<16xf32>,
      %parallel_loop3A_93 = arith.constant 0.000000e+00 : f32
      %parallel_loop3A_94 = vector.broadcast %parallel_loop3A_93 : f32 to vector<16xf32>
      %parallel_loop3A_95 = arith.cmpf ogt, %parallel_loop3A_92, %parallel_loop3A_94 : vector<16xf32>
      %parallel_loop3A_96 = arith.subf %parallel_loop3A_90, %parallel_loop3A_92 : vector<16xf32>
      %parallel_loop3A_97 = math.absf %parallel_loop3A_96 : vector<16xf32>
      %parallel_loop3A_98 = arith.constant 1.000000e+00 : f32
      %parallel_loop3A_99 = vector.broadcast %parallel_loop3A_98 : f32 to vector<16xf32>
      %parallel_loop3A_100 = arith.cmpf olt, %parallel_loop3A_97, %parallel_loop3A_99 : vector<16xf32>
      %parallel_loop3A_101 = arith.constant 5.000000e-01 : f32
      %parallel_loop3A_102 = vector.broadcast %parallel_loop3A_101 : f32 to vector<16xf32>
      %parallel_loop3A_103 = arith.mulf %parallel_loop3A_102, %parallel_loop3A_96 : vector<16xf32>
      %parallel_loop3A_104 = arith.mulf %parallel_loop3A_103, %parallel_loop3A_96 : vector<16xf32>
      %parallel_loop3A_105 = arith.constant 5.000000e-01 : f32
      %parallel_loop3A_106 = vector.broadcast %parallel_loop3A_105 : f32 to vector<16xf32>
      %parallel_loop3A_107 = arith.subf %parallel_loop3A_97, %parallel_loop3A_106 : vector<16xf32>
      %parallel_loop3A_108 = arith.select %parallel_loop3A_100, %parallel_loop3A_104, %parallel_loop3A_107 : vector<16xi1>, vector<16xf32>
      %parallel_loop3A_109 = arith.constant 0.000000e+00 : f32
      %parallel_loop3A_110 = vector.broadcast %parallel_loop3A_109 : f32 to vector<16xf32>
      %parallel_loop3A_111 = arith.select %parallel_loop3A_95, %parallel_loop3A_110, %parallel_loop3A_97 : vector<16xi1>, vector<16xf32>
      %parallel_loop3A_112 = arith.constant 15.984375 : f32
      %parallel_loop3A_113 = vector.broadcast %parallel_loop3A_112 : f32 to vector<16xf32>
      %parallel_loop3A_114 = arith.minimumf %parallel_loop3A_111, %parallel_loop3A_113 : vector<16xf32>
      %parallel_loop3A_115 = arith.constant 6.400000e+01 : f32
      %parallel_loop3A_116 = vector.broadcast %parallel_loop3A_115 : f32 to vector<16xf32>
      %parallel_loop3A_117 = arith.mulf %parallel_loop3A_114, %parallel_loop3A_116 : vector<16xf32>
      %parallel_loop3A_118 = arith.fptosi %parallel_loop3A_117 : vector<16xf32> to vector<16xi32>
      %parallel_loop3A_119 = arith.constant 16 : i32
      %parallel_loop3A_120 = arith.muli %parallel_loop3A_84, %parallel_loop3A_119 : i32
      %parallel_loop3A_121 = arith.constant 114688 : i32
      %parallel_loop3A_122 = arith.addi %parallel_loop3A_121, %parallel_loop3A_120 : i32
      %parallel_loop3A_123 = arith.constant 2048 : i32
      %parallel_loop3A_124 = arith.divsi %parallel_loop3A_122, %parallel_loop3A_123 : i32
      %parallel_loop3A_125 = arith.constant 0 : i32
      %parallel_loop3A_126 = arith.cmpi sgt, %parallel_loop3A_122, %parallel_loop3A_125 : i32
      %parallel_loop3A_127 = arith.extui %parallel_loop3A_126 : i1 to i32
      %parallel_loop3A_128 = arith.constant 0 : i32
      %parallel_loop3A_129 = arith.cmpi slt, %parallel_loop3A_122, %parallel_loop3A_128 : i32
      %parallel_loop3A_130 = arith.extui %parallel_loop3A_129 : i1 to i32
      %parallel_loop3A_131 = arith.subi %parallel_loop3A_127, %parallel_loop3A_130 : i32
      %parallel_loop3A_132 = arith.constant 0 : i32
      %parallel_loop3A_133 = arith.cmpi sgt, %parallel_loop3A_123, %parallel_loop3A_132 : i32
      %parallel_loop3A_134 = arith.extui %parallel_loop3A_133 : i1 to i32
      %parallel_loop3A_135 = arith.constant 0 : i32
      %parallel_loop3A_136 = arith.cmpi slt, %parallel_loop3A_123, %parallel_loop3A_135 : i32
      %parallel_loop3A_137 = arith.extui %parallel_loop3A_136 : i1 to i32
      %parallel_loop3A_138 = arith.subi %parallel_loop3A_134, %parallel_loop3A_137 : i32
      %parallel_loop3A_139 = arith.cmpi ne, %parallel_loop3A_131, %parallel_loop3A_138 : i32
      %parallel_loop3A_140 = arith.remsi %parallel_loop3A_122, %parallel_loop3A_123 : i32
      %parallel_loop3A_141 = arith.constant 0 : i32
      %parallel_loop3A_142 = arith.cmpi ne, %parallel_loop3A_140, %parallel_loop3A_141 : i32
      %parallel_loop3A_143 = arith.andi %parallel_loop3A_139, %parallel_loop3A_142 : i1
      %parallel_loop3A_144 = arith.constant 1 : i32
      %parallel_loop3A_145 = arith.subi %parallel_loop3A_124, %parallel_loop3A_144 : i32
      %parallel_loop3A_146 = arith.select %parallel_loop3A_143, %parallel_loop3A_145, %parallel_loop3A_124 : i32
      %parallel_loop3A_147 = arith.constant 1024 : i32
      %parallel_loop3A_148 = arith.addi %parallel_loop3A_147, %parallel_loop3A_146 : i32
      %parallel_loop3A_149 = arith.constant 0.000000e+00 : f32
      %parallel_loop3A_150 = vector.broadcast %parallel_loop3A_149 : f32 to vector<16xf32>
      %parallel_loop3A_151 = arith.cmpf oeq, %parallel_loop3A_111, %parallel_loop3A_150 : vector<16xf32>
      %parallel_loop3A_152 = vector.broadcast %parallel_loop3A_148 : i32 to vector<16xi32>
      %parallel_loop3A_153 = arith.select %parallel_loop3A_151, %parallel_loop3A_152, %parallel_loop3A_118 : vector<16xi1>, vector<16xi32>
      %parallel_loop3A_154 = arith.addi %mul3A_8, %parallel_loop3A_153 : vector<16xi32>
      tpu.vector_store_idx %arg11[%parallel_loop3A_154], %broadcast_in_dim3A_5 {add = true} : memref<17424xf32, #tpu.memory_space<vmem>>[vector<16xi32>], vector<16xf32>,
      tpu.vector_store_idx %arg12[%parallel_loop3A_154], %parallel_loop3A_108 {add = true} : memref<17424xf32, #tpu.memory_space<vmem>>[vector<16xi32>], vector<16xf32>,
      %parallel_loop3A_155 = arith.constant 1.000000e+00 : f32
      %parallel_loop3A_156 = arith.constant 0.000000e+00 : f32
      %parallel_loop3A_157 = vector.broadcast %parallel_loop3A_155 : f32 to vector<16xf32>
      %parallel_loop3A_158 = vector.broadcast %parallel_loop3A_156 : f32 to vector<16xf32>
      %parallel_loop3A_159 = arith.select %parallel_loop3A_95, %parallel_loop3A_157, %parallel_loop3A_158 : vector<16xi1>, vector<16xf32>
      %parallel_loop3A_160 = arith.addf %parallel_loop3A_85, %parallel_loop3A_159 : vector<16xf32>
      scf.yield %parallel_loop3A_160 : vector<16xf32>
    } {sc.loop_unroll_factor = 8 : i64, sc.parallel_access}
    %add3A_64 = arith.constant 122880 : i32
    %add3A_65 = arith.addi %mul3A_2, %add3A_64 : i32
    %multiple_of3A_66 = tpu.assume_multiple %add3A_65, 8192 : i32
    %dma_wait3A_67 = arith.constant 1 : i32
    %dma_wait3A_68 = arith.constant 0 : i32
    %dma_wait3A_69 = tpu.memref_slice %arg2[%multiple_of3A_66] : memref<4194304xf32, #tpu.memory_space<hbm>> -> memref<8192xf32, #tpu.memory_space<hbm>>
    %dma_wait3A_70 = tpu.memref_slice %arg14[%dma_wait3A_67, %dma_wait3A_68] : memref<2x2x!tpu.dma_semaphore, #tpu.memory_space<semaphore_mem>> -> memref<1x1x!tpu.dma_semaphore, #tpu.memory_space<semaphore_mem>>
    %dma_wait3A_71 = tpu.memref_squeeze %dma_wait3A_70 : memref<1x1x!tpu.dma_semaphore, #tpu.memory_space<semaphore_mem>> -> memref<!tpu.dma_semaphore, #tpu.memory_space<semaphore_mem>>
    %dma_wait3A_72 = tpu.memref_slice %arg2[%multiple_of3A_66] : memref<4194304xf32, #tpu.memory_space<hbm>> -> memref<8192xf32, #tpu.memory_space<hbm>>
    tpu.wait_dma2 semaphore(%dma_wait3A_71 : memref<!tpu.dma_semaphore, #tpu.memory_space<semaphore_mem>>) src(%dma_wait3A_72 : memref<8192xf32, #tpu.memory_space<hbm>>) dst(%arg8 : memref<8192xf32, #tpu.memory_space<vmem>>)
    %dma_wait3A_73 = arith.constant 1 : i32
    %dma_wait3A_74 = arith.constant 1 : i32
    %dma_wait3A_75 = tpu.memref_slice %arg3[%multiple_of3A_66] : memref<4194304xf32, #tpu.memory_space<hbm>> -> memref<8192xf32, #tpu.memory_space<hbm>>
    %dma_wait3A_76 = tpu.memref_slice %arg14[%dma_wait3A_73, %dma_wait3A_74] : memref<2x2x!tpu.dma_semaphore, #tpu.memory_space<semaphore_mem>> -> memref<1x1x!tpu.dma_semaphore, #tpu.memory_space<semaphore_mem>>
    %dma_wait3A_77 = tpu.memref_squeeze %dma_wait3A_76 : memref<1x1x!tpu.dma_semaphore, #tpu.memory_space<semaphore_mem>> -> memref<!tpu.dma_semaphore, #tpu.memory_space<semaphore_mem>>
    %dma_wait3A_78 = tpu.memref_slice %arg3[%multiple_of3A_66] : memref<4194304xf32, #tpu.memory_space<hbm>> -> memref<8192xf32, #tpu.memory_space<hbm>>
    tpu.wait_dma2 semaphore(%dma_wait3A_77 : memref<!tpu.dma_semaphore, #tpu.memory_space<semaphore_mem>>) src(%dma_wait3A_78 : memref<8192xf32, #tpu.memory_space<hbm>>) dst(%arg10 : memref<8192xf32, #tpu.memory_space<vmem>>)
    %parallel_loop3A_79 = arith.constant 0 : i32
    %parallel_loop3A_80 = arith.constant 512 : i32
    %parallel_loop3A_81 = arith.constant 1 : i32
    %parallel_loop3A_82 = scf.for %parallel_loop3A_84 = %parallel_loop3A_79 to %parallel_loop3A_80 step %parallel_loop3A_81 iter_args(%parallel_loop3A_85 = %parallel_loop3A_63) -> (vector<16xf32>)  : i32 {
      %parallel_loop3A_86 = arith.constant 16 : i32
      %parallel_loop3A_87 = arith.muli %parallel_loop3A_84, %parallel_loop3A_86 : i32
      %parallel_loop3A_88 = tpu.assume_multiple %parallel_loop3A_87, 16 : i32
      %parallel_loop3A_89 = arith.index_cast %parallel_loop3A_88 : i32 to index
      %parallel_loop3A_90 = tpu.vector_load %arg8[%parallel_loop3A_89] {strides = array<i32>} : memref<8192xf32, #tpu.memory_space<vmem>>, vector<16xf32>,
      %parallel_loop3A_91 = arith.index_cast %parallel_loop3A_88 : i32 to index
      %parallel_loop3A_92 = tpu.vector_load %arg10[%parallel_loop3A_91] {strides = array<i32>} : memref<8192xf32, #tpu.memory_space<vmem>>, vector<16xf32>,
      %parallel_loop3A_93 = arith.constant 0.000000e+00 : f32
      %parallel_loop3A_94 = vector.broadcast %parallel_loop3A_93 : f32 to vector<16xf32>
      %parallel_loop3A_95 = arith.cmpf ogt, %parallel_loop3A_92, %parallel_loop3A_94 : vector<16xf32>
      %parallel_loop3A_96 = arith.subf %parallel_loop3A_90, %parallel_loop3A_92 : vector<16xf32>
      %parallel_loop3A_97 = math.absf %parallel_loop3A_96 : vector<16xf32>
      %parallel_loop3A_98 = arith.constant 1.000000e+00 : f32
      %parallel_loop3A_99 = vector.broadcast %parallel_loop3A_98 : f32 to vector<16xf32>
      %parallel_loop3A_100 = arith.cmpf olt, %parallel_loop3A_97, %parallel_loop3A_99 : vector<16xf32>
      %parallel_loop3A_101 = arith.constant 5.000000e-01 : f32
      %parallel_loop3A_102 = vector.broadcast %parallel_loop3A_101 : f32 to vector<16xf32>
      %parallel_loop3A_103 = arith.mulf %parallel_loop3A_102, %parallel_loop3A_96 : vector<16xf32>
      %parallel_loop3A_104 = arith.mulf %parallel_loop3A_103, %parallel_loop3A_96 : vector<16xf32>
      %parallel_loop3A_105 = arith.constant 5.000000e-01 : f32
      %parallel_loop3A_106 = vector.broadcast %parallel_loop3A_105 : f32 to vector<16xf32>
      %parallel_loop3A_107 = arith.subf %parallel_loop3A_97, %parallel_loop3A_106 : vector<16xf32>
      %parallel_loop3A_108 = arith.select %parallel_loop3A_100, %parallel_loop3A_104, %parallel_loop3A_107 : vector<16xi1>, vector<16xf32>
      %parallel_loop3A_109 = arith.constant 0.000000e+00 : f32
      %parallel_loop3A_110 = vector.broadcast %parallel_loop3A_109 : f32 to vector<16xf32>
      %parallel_loop3A_111 = arith.select %parallel_loop3A_95, %parallel_loop3A_110, %parallel_loop3A_97 : vector<16xi1>, vector<16xf32>
      %parallel_loop3A_112 = arith.constant 15.984375 : f32
      %parallel_loop3A_113 = vector.broadcast %parallel_loop3A_112 : f32 to vector<16xf32>
      %parallel_loop3A_114 = arith.minimumf %parallel_loop3A_111, %parallel_loop3A_113 : vector<16xf32>
      %parallel_loop3A_115 = arith.constant 6.400000e+01 : f32
      %parallel_loop3A_116 = vector.broadcast %parallel_loop3A_115 : f32 to vector<16xf32>
      %parallel_loop3A_117 = arith.mulf %parallel_loop3A_114, %parallel_loop3A_116 : vector<16xf32>
      %parallel_loop3A_118 = arith.fptosi %parallel_loop3A_117 : vector<16xf32> to vector<16xi32>
      %parallel_loop3A_119 = arith.constant 16 : i32
      %parallel_loop3A_120 = arith.muli %parallel_loop3A_84, %parallel_loop3A_119 : i32
      %parallel_loop3A_121 = arith.constant 122880 : i32
      %parallel_loop3A_122 = arith.addi %parallel_loop3A_121, %parallel_loop3A_120 : i32
      %parallel_loop3A_123 = arith.constant 2048 : i32
      %parallel_loop3A_124 = arith.divsi %parallel_loop3A_122, %parallel_loop3A_123 : i32
      %parallel_loop3A_125 = arith.constant 0 : i32
      %parallel_loop3A_126 = arith.cmpi sgt, %parallel_loop3A_122, %parallel_loop3A_125 : i32
      %parallel_loop3A_127 = arith.extui %parallel_loop3A_126 : i1 to i32
      %parallel_loop3A_128 = arith.constant 0 : i32
      %parallel_loop3A_129 = arith.cmpi slt, %parallel_loop3A_122, %parallel_loop3A_128 : i32
      %parallel_loop3A_130 = arith.extui %parallel_loop3A_129 : i1 to i32
      %parallel_loop3A_131 = arith.subi %parallel_loop3A_127, %parallel_loop3A_130 : i32
      %parallel_loop3A_132 = arith.constant 0 : i32
      %parallel_loop3A_133 = arith.cmpi sgt, %parallel_loop3A_123, %parallel_loop3A_132 : i32
      %parallel_loop3A_134 = arith.extui %parallel_loop3A_133 : i1 to i32
      %parallel_loop3A_135 = arith.constant 0 : i32
      %parallel_loop3A_136 = arith.cmpi slt, %parallel_loop3A_123, %parallel_loop3A_135 : i32
      %parallel_loop3A_137 = arith.extui %parallel_loop3A_136 : i1 to i32
      %parallel_loop3A_138 = arith.subi %parallel_loop3A_134, %parallel_loop3A_137 : i32
      %parallel_loop3A_139 = arith.cmpi ne, %parallel_loop3A_131, %parallel_loop3A_138 : i32
      %parallel_loop3A_140 = arith.remsi %parallel_loop3A_122, %parallel_loop3A_123 : i32
      %parallel_loop3A_141 = arith.constant 0 : i32
      %parallel_loop3A_142 = arith.cmpi ne, %parallel_loop3A_140, %parallel_loop3A_141 : i32
      %parallel_loop3A_143 = arith.andi %parallel_loop3A_139, %parallel_loop3A_142 : i1
      %parallel_loop3A_144 = arith.constant 1 : i32
      %parallel_loop3A_145 = arith.subi %parallel_loop3A_124, %parallel_loop3A_144 : i32
      %parallel_loop3A_146 = arith.select %parallel_loop3A_143, %parallel_loop3A_145, %parallel_loop3A_124 : i32
      %parallel_loop3A_147 = arith.constant 1024 : i32
      %parallel_loop3A_148 = arith.addi %parallel_loop3A_147, %parallel_loop3A_146 : i32
      %parallel_loop3A_149 = arith.constant 0.000000e+00 : f32
      %parallel_loop3A_150 = vector.broadcast %parallel_loop3A_149 : f32 to vector<16xf32>
      %parallel_loop3A_151 = arith.cmpf oeq, %parallel_loop3A_111, %parallel_loop3A_150 : vector<16xf32>
      %parallel_loop3A_152 = vector.broadcast %parallel_loop3A_148 : i32 to vector<16xi32>
      %parallel_loop3A_153 = arith.select %parallel_loop3A_151, %parallel_loop3A_152, %parallel_loop3A_118 : vector<16xi1>, vector<16xi32>
      %parallel_loop3A_154 = arith.addi %mul3A_8, %parallel_loop3A_153 : vector<16xi32>
      tpu.vector_store_idx %arg11[%parallel_loop3A_154], %broadcast_in_dim3A_5 {add = true} : memref<17424xf32, #tpu.memory_space<vmem>>[vector<16xi32>], vector<16xf32>,
      tpu.vector_store_idx %arg12[%parallel_loop3A_154], %parallel_loop3A_108 {add = true} : memref<17424xf32, #tpu.memory_space<vmem>>[vector<16xi32>], vector<16xf32>,
      %parallel_loop3A_155 = arith.constant 1.000000e+00 : f32
      %parallel_loop3A_156 = arith.constant 0.000000e+00 : f32
      %parallel_loop3A_157 = vector.broadcast %parallel_loop3A_155 : f32 to vector<16xf32>
      %parallel_loop3A_158 = vector.broadcast %parallel_loop3A_156 : f32 to vector<16xf32>
      %parallel_loop3A_159 = arith.select %parallel_loop3A_95, %parallel_loop3A_157, %parallel_loop3A_158 : vector<16xi1>, vector<16xf32>
      %parallel_loop3A_160 = arith.addf %parallel_loop3A_85, %parallel_loop3A_159 : vector<16xf32>
      scf.yield %parallel_loop3A_160 : vector<16xf32>
    } {sc.loop_unroll_factor = 8 : i64, sc.parallel_access}
    %swap3A = arith.constant 0 : index
    %swap3A_83 = tpu.vector_load %arg13[%swap3A] {strides = array<i32>} : memref<16xf32, #tpu.memory_space<vmem>>, vector<16xf32>,
    tpu.vector_store %arg13[%swap3A], %parallel_loop3A_82 {strides = array<i32>} : memref<16xf32, #tpu.memory_space<vmem>>, vector<16xf32>,
    "tpu.region"() ({
      %run_scoped3A = tpu.sem_alloc : memref<!tpu.dma_semaphore, #tpu.memory_space<semaphore_mem>>
      %dma_start3A_84 = arith.constant 0 : i32
      %dma_start3A_85 = tpu.memref_slice %arg4[%add3A, %dma_start3A_84] : memref<32x17424xf32, #tpu.memory_space<hbm>> -> memref<1x17424xf32, #tpu.memory_space<hbm>>
      %dma_start3A_86 = tpu.memref_squeeze %dma_start3A_85 : memref<1x17424xf32, #tpu.memory_space<hbm>> -> memref<17424xf32, #tpu.memory_space<hbm>>
      %dma_start3A_87 = arith.constant 0 : i32
      %dma_start3A_88 = tpu.memref_slice %arg4[%add3A, %dma_start3A_87] : memref<32x17424xf32, #tpu.memory_space<hbm>> -> memref<1x17424xf32, #tpu.memory_space<hbm>>
      %dma_start3A_89 = tpu.memref_squeeze %dma_start3A_88 : memref<1x17424xf32, #tpu.memory_space<hbm>> -> memref<17424xf32, #tpu.memory_space<hbm>>
      tpu.enqueue_dma source(%arg11 : memref<17424xf32, #tpu.memory_space<vmem>>) target(%dma_start3A_89 : memref<17424xf32, #tpu.memory_space<hbm>>) target_semaphore(%run_scoped3A : memref<!tpu.dma_semaphore, #tpu.memory_space<semaphore_mem>>)
      %dma_wait3A_90 = arith.constant 0 : i32
      %dma_wait3A_91 = tpu.memref_slice %arg4[%add3A, %dma_wait3A_90] : memref<32x17424xf32, #tpu.memory_space<hbm>> -> memref<1x17424xf32, #tpu.memory_space<hbm>>
      %dma_wait3A_92 = tpu.memref_squeeze %dma_wait3A_91 : memref<1x17424xf32, #tpu.memory_space<hbm>> -> memref<17424xf32, #tpu.memory_space<hbm>>
      %dma_wait3A_93 = arith.constant 0 : i32
      %dma_wait3A_94 = tpu.memref_slice %arg4[%add3A, %dma_wait3A_93] : memref<32x17424xf32, #tpu.memory_space<hbm>> -> memref<1x17424xf32, #tpu.memory_space<hbm>>
      %dma_wait3A_95 = tpu.memref_squeeze %dma_wait3A_94 : memref<1x17424xf32, #tpu.memory_space<hbm>> -> memref<17424xf32, #tpu.memory_space<hbm>>
      tpu.wait_dma2 semaphore(%run_scoped3A : memref<!tpu.dma_semaphore, #tpu.memory_space<semaphore_mem>>) src(%arg11 : memref<17424xf32, #tpu.memory_space<vmem>>) dst(%dma_wait3A_95 : memref<17424xf32, #tpu.memory_space<hbm>>)
      tpu.yield
    }) : () -> ()
    "tpu.region"() ({
      %run_scoped3A = tpu.sem_alloc : memref<!tpu.dma_semaphore, #tpu.memory_space<semaphore_mem>>
      %dma_start3A_84 = arith.constant 0 : i32
      %dma_start3A_85 = tpu.memref_slice %arg5[%add3A, %dma_start3A_84] : memref<32x17424xf32, #tpu.memory_space<hbm>> -> memref<1x17424xf32, #tpu.memory_space<hbm>>
      %dma_start3A_86 = tpu.memref_squeeze %dma_start3A_85 : memref<1x17424xf32, #tpu.memory_space<hbm>> -> memref<17424xf32, #tpu.memory_space<hbm>>
      %dma_start3A_87 = arith.constant 0 : i32
      %dma_start3A_88 = tpu.memref_slice %arg5[%add3A, %dma_start3A_87] : memref<32x17424xf32, #tpu.memory_space<hbm>> -> memref<1x17424xf32, #tpu.memory_space<hbm>>
      %dma_start3A_89 = tpu.memref_squeeze %dma_start3A_88 : memref<1x17424xf32, #tpu.memory_space<hbm>> -> memref<17424xf32, #tpu.memory_space<hbm>>
      tpu.enqueue_dma source(%arg12 : memref<17424xf32, #tpu.memory_space<vmem>>) target(%dma_start3A_89 : memref<17424xf32, #tpu.memory_space<hbm>>) target_semaphore(%run_scoped3A : memref<!tpu.dma_semaphore, #tpu.memory_space<semaphore_mem>>)
      %dma_wait3A_90 = arith.constant 0 : i32
      %dma_wait3A_91 = tpu.memref_slice %arg5[%add3A, %dma_wait3A_90] : memref<32x17424xf32, #tpu.memory_space<hbm>> -> memref<1x17424xf32, #tpu.memory_space<hbm>>
      %dma_wait3A_92 = tpu.memref_squeeze %dma_wait3A_91 : memref<1x17424xf32, #tpu.memory_space<hbm>> -> memref<17424xf32, #tpu.memory_space<hbm>>
      %dma_wait3A_93 = arith.constant 0 : i32
      %dma_wait3A_94 = tpu.memref_slice %arg5[%add3A, %dma_wait3A_93] : memref<32x17424xf32, #tpu.memory_space<hbm>> -> memref<1x17424xf32, #tpu.memory_space<hbm>>
      %dma_wait3A_95 = tpu.memref_squeeze %dma_wait3A_94 : memref<1x17424xf32, #tpu.memory_space<hbm>> -> memref<17424xf32, #tpu.memory_space<hbm>>
      tpu.wait_dma2 semaphore(%run_scoped3A : memref<!tpu.dma_semaphore, #tpu.memory_space<semaphore_mem>>) src(%arg12 : memref<17424xf32, #tpu.memory_space<vmem>>) dst(%dma_wait3A_95 : memref<17424xf32, #tpu.memory_space<hbm>>)
      tpu.yield
    }) : () -> ()
    "tpu.region"() ({
      %run_scoped3A = tpu.sem_alloc : memref<!tpu.dma_semaphore, #tpu.memory_space<semaphore_mem>>
      %dma_start3A_84 = arith.constant 0 : i32
      %dma_start3A_85 = tpu.memref_slice %arg6[%add3A, %dma_start3A_84] : memref<32x16xf32, #tpu.memory_space<hbm>> -> memref<1x16xf32, #tpu.memory_space<hbm>>
      %dma_start3A_86 = tpu.memref_squeeze %dma_start3A_85 : memref<1x16xf32, #tpu.memory_space<hbm>> -> memref<16xf32, #tpu.memory_space<hbm>>
      %dma_start3A_87 = arith.constant 0 : i32
      %dma_start3A_88 = tpu.memref_slice %arg6[%add3A, %dma_start3A_87] : memref<32x16xf32, #tpu.memory_space<hbm>> -> memref<1x16xf32, #tpu.memory_space<hbm>>
      %dma_start3A_89 = tpu.memref_squeeze %dma_start3A_88 : memref<1x16xf32, #tpu.memory_space<hbm>> -> memref<16xf32, #tpu.memory_space<hbm>>
      tpu.enqueue_dma source(%arg13 : memref<16xf32, #tpu.memory_space<vmem>>) target(%dma_start3A_89 : memref<16xf32, #tpu.memory_space<hbm>>) target_semaphore(%run_scoped3A : memref<!tpu.dma_semaphore, #tpu.memory_space<semaphore_mem>>)
      %dma_wait3A_90 = arith.constant 0 : i32
      %dma_wait3A_91 = tpu.memref_slice %arg6[%add3A, %dma_wait3A_90] : memref<32x16xf32, #tpu.memory_space<hbm>> -> memref<1x16xf32, #tpu.memory_space<hbm>>
      %dma_wait3A_92 = tpu.memref_squeeze %dma_wait3A_91 : memref<1x16xf32, #tpu.memory_space<hbm>> -> memref<16xf32, #tpu.memory_space<hbm>>
      %dma_wait3A_93 = arith.constant 0 : i32
      %dma_wait3A_94 = tpu.memref_slice %arg6[%add3A, %dma_wait3A_93] : memref<32x16xf32, #tpu.memory_space<hbm>> -> memref<1x16xf32, #tpu.memory_space<hbm>>
      %dma_wait3A_95 = tpu.memref_squeeze %dma_wait3A_94 : memref<1x16xf32, #tpu.memory_space<hbm>> -> memref<16xf32, #tpu.memory_space<hbm>>
      tpu.wait_dma2 semaphore(%run_scoped3A : memref<!tpu.dma_semaphore, #tpu.memory_space<semaphore_mem>>) src(%arg13 : memref<16xf32, #tpu.memory_space<vmem>>) dst(%dma_wait3A_95 : memref<16xf32, #tpu.memory_space<hbm>>)
      tpu.yield
    }) : () -> ()
    return
  }
}

module attributes {stable_mosaic.version = 14 : i64} {
  func.func @_finish_kernel(%arg0: memref<512x1089xf32, #tpu.memory_space<vmem>>, %arg1: memref<512x1089xf32, #tpu.memory_space<vmem>>, %arg2: memref<32x16xf32, #tpu.memory_space<vmem>>, %arg3: memref<1x1xf32, #tpu.memory_space<smem>>) attributes {dimension_semantics = [], scalar_prefetch = 0 : i64, scratch_operands = 0 : i64, tpu.core_type = #tpu.core_type<tc>} {
    %get3A = arith.constant 0 : index
    %get3A_0 = arith.constant 0 : index
    %get3A_1 = vector.load %arg0[%get3A, %get3A_0] : memref<512x1089xf32, #tpu.memory_space<vmem>>, vector<512x1089xf32>
    %get3A_2 = arith.constant 0 : index
    %get3A_3 = arith.constant 0 : index
    %get3A_4 = vector.load %arg1[%get3A_2, %get3A_3] : memref<512x1089xf32, #tpu.memory_space<vmem>>, vector<512x1089xf32>
    %get3A_5 = arith.constant 0 : index
    %get3A_6 = arith.constant 0 : index
    %get3A_7 = vector.load %arg2[%get3A_5, %get3A_6] : memref<32x16xf32, #tpu.memory_space<vmem>>, vector<32x16xf32>
    %iota3A = tpu.iota {dimensions = array<i32: 0>} : vector<16x512xi32>
    %iota3A_8 = tpu.iota {dimensions = array<i32: 1>} : vector<16x512xi32>
    %jit3A = arith.constant 32 : i32
    %div3A = vector.broadcast %jit3A : i32 to vector<16x512xi32>
    %div3A_9 = arith.divsi %iota3A_8, %div3A : vector<16x512xi32>
    %sign3A = arith.constant 0 : i32
    %sign3A_10 = vector.broadcast %sign3A : i32 to vector<16x512xi32>
    %sign3A_11 = arith.cmpi sgt, %iota3A_8, %sign3A_10 : vector<16x512xi32>
    %sign3A_12 = arith.extui %sign3A_11 : vector<16x512xi1> to vector<16x512xi32>
    %sign3A_13 = arith.constant 0 : i32
    %sign3A_14 = vector.broadcast %sign3A_13 : i32 to vector<16x512xi32>
    %sign3A_15 = arith.cmpi slt, %iota3A_8, %sign3A_14 : vector<16x512xi32>
    %sign3A_16 = arith.extui %sign3A_15 : vector<16x512xi1> to vector<16x512xi32>
    %sign3A_17 = arith.subi %sign3A_12, %sign3A_16 : vector<16x512xi32>
    %sign3A_18 = arith.constant 0 : i32
    %sign3A_19 = arith.cmpi sgt, %jit3A, %sign3A_18 : i32
    %sign3A_20 = arith.extui %sign3A_19 : i1 to i32
    %sign3A_21 = arith.constant 0 : i32
    %sign3A_22 = arith.cmpi slt, %jit3A, %sign3A_21 : i32
    %sign3A_23 = arith.extui %sign3A_22 : i1 to i32
    %sign3A_24 = arith.subi %sign3A_20, %sign3A_23 : i32
    %ne3A = vector.broadcast %sign3A_24 : i32 to vector<16x512xi32>
    %ne3A_25 = arith.cmpi ne, %sign3A_17, %ne3A : vector<16x512xi32>
    %rem3A = vector.broadcast %jit3A : i32 to vector<16x512xi32>
    %rem3A_26 = arith.remsi %iota3A_8, %rem3A : vector<16x512xi32>
    %ne3A_27 = arith.constant 0 : i32
    %ne3A_28 = vector.broadcast %ne3A_27 : i32 to vector<16x512xi32>
    %ne3A_29 = arith.cmpi ne, %rem3A_26, %ne3A_28 : vector<16x512xi32>
    %and3A = arith.andi %ne3A_25, %ne3A_29 : vector<16x512xi1>
    %sub3A = arith.constant 1 : i32
    %sub3A_30 = vector.broadcast %sub3A : i32 to vector<16x512xi32>
    %sub3A_31 = arith.subi %div3A_9, %sub3A_30 : vector<16x512xi32>
    %select_n3A = arith.select %and3A, %sub3A_31, %div3A_9 : vector<16x512xi1>, vector<16x512xi32>
    %eq3A = arith.cmpi eq, %select_n3A, %iota3A : vector<16x512xi32>
    %convert_element_type3A = arith.extui %eq3A : vector<16x512xi1> to vector<16x512xi32>
    %convert_element_type3A_32 = arith.sitofp %convert_element_type3A : vector<16x512xi32> to vector<16x512xf32>
    %iota3A_33 = tpu.iota {dimensions = array<i32: 0>} : vector<32x512xi32>
    %iota3A_34 = tpu.iota {dimensions = array<i32: 1>} : vector<32x512xi32>
    %jit3A_35 = arith.constant 16 : i32
    %div3A_36 = vector.broadcast %jit3A_35 : i32 to vector<32x512xi32>
    %div3A_37 = arith.divsi %iota3A_34, %div3A_36 : vector<32x512xi32>
    %sign3A_38 = arith.constant 0 : i32
    %sign3A_39 = vector.broadcast %sign3A_38 : i32 to vector<32x512xi32>
    %sign3A_40 = arith.cmpi sgt, %iota3A_34, %sign3A_39 : vector<32x512xi32>
    %sign3A_41 = arith.extui %sign3A_40 : vector<32x512xi1> to vector<32x512xi32>
    %sign3A_42 = arith.constant 0 : i32
    %sign3A_43 = vector.broadcast %sign3A_42 : i32 to vector<32x512xi32>
    %sign3A_44 = arith.cmpi slt, %iota3A_34, %sign3A_43 : vector<32x512xi32>
    %sign3A_45 = arith.extui %sign3A_44 : vector<32x512xi1> to vector<32x512xi32>
    %sign3A_46 = arith.subi %sign3A_41, %sign3A_45 : vector<32x512xi32>
    %sign3A_47 = arith.constant 0 : i32
    %sign3A_48 = arith.cmpi sgt, %jit3A_35, %sign3A_47 : i32
    %sign3A_49 = arith.extui %sign3A_48 : i1 to i32
    %sign3A_50 = arith.constant 0 : i32
    %sign3A_51 = arith.cmpi slt, %jit3A_35, %sign3A_50 : i32
    %sign3A_52 = arith.extui %sign3A_51 : i1 to i32
    %sign3A_53 = arith.subi %sign3A_49, %sign3A_52 : i32
    %ne3A_54 = vector.broadcast %sign3A_53 : i32 to vector<32x512xi32>
    %ne3A_55 = arith.cmpi ne, %sign3A_46, %ne3A_54 : vector<32x512xi32>
    %rem3A_56 = vector.broadcast %jit3A_35 : i32 to vector<32x512xi32>
    %rem3A_57 = arith.remsi %iota3A_34, %rem3A_56 : vector<32x512xi32>
    %ne3A_58 = arith.constant 0 : i32
    %ne3A_59 = vector.broadcast %ne3A_58 : i32 to vector<32x512xi32>
    %ne3A_60 = arith.cmpi ne, %rem3A_57, %ne3A_59 : vector<32x512xi32>
    %and3A_61 = arith.andi %ne3A_55, %ne3A_60 : vector<32x512xi1>
    %sub3A_62 = arith.constant 1 : i32
    %sub3A_63 = vector.broadcast %sub3A_62 : i32 to vector<32x512xi32>
    %sub3A_64 = arith.subi %div3A_37, %sub3A_63 : vector<32x512xi32>
    %select_n3A_65 = arith.select %and3A_61, %sub3A_64, %div3A_37 : vector<32x512xi1>, vector<32x512xi32>
    %eq3A_66 = arith.cmpi eq, %select_n3A_65, %iota3A_33 : vector<32x512xi32>
    %convert_element_type3A_67 = arith.extui %eq3A_66 : vector<32x512xi1> to vector<32x512xi32>
    %convert_element_type3A_68 = arith.sitofp %convert_element_type3A_67 : vector<32x512xi32> to vector<32x512xf32>
    %iota3A_69 = tpu.iota {dimensions = array<i32: 0>} : vector<16x32xi32>
    %iota3A_70 = tpu.iota {dimensions = array<i32: 1>} : vector<16x32xi32>
    %jit3A_71 = arith.constant 2 : i32
    %div3A_72 = vector.broadcast %jit3A_71 : i32 to vector<16x32xi32>
    %div3A_73 = arith.divsi %iota3A_70, %div3A_72 : vector<16x32xi32>
    %sign3A_74 = arith.constant 0 : i32
    %sign3A_75 = vector.broadcast %sign3A_74 : i32 to vector<16x32xi32>
    %sign3A_76 = arith.cmpi sgt, %iota3A_70, %sign3A_75 : vector<16x32xi32>
    %sign3A_77 = arith.extui %sign3A_76 : vector<16x32xi1> to vector<16x32xi32>
    %sign3A_78 = arith.constant 0 : i32
    %sign3A_79 = vector.broadcast %sign3A_78 : i32 to vector<16x32xi32>
    %sign3A_80 = arith.cmpi slt, %iota3A_70, %sign3A_79 : vector<16x32xi32>
    %sign3A_81 = arith.extui %sign3A_80 : vector<16x32xi1> to vector<16x32xi32>
    %sign3A_82 = arith.subi %sign3A_77, %sign3A_81 : vector<16x32xi32>
    %sign3A_83 = arith.constant 0 : i32
    %sign3A_84 = arith.cmpi sgt, %jit3A_71, %sign3A_83 : i32
    %sign3A_85 = arith.extui %sign3A_84 : i1 to i32
    %sign3A_86 = arith.constant 0 : i32
    %sign3A_87 = arith.cmpi slt, %jit3A_71, %sign3A_86 : i32
    %sign3A_88 = arith.extui %sign3A_87 : i1 to i32
    %sign3A_89 = arith.subi %sign3A_85, %sign3A_88 : i32
    %ne3A_90 = vector.broadcast %sign3A_89 : i32 to vector<16x32xi32>
    %ne3A_91 = arith.cmpi ne, %sign3A_82, %ne3A_90 : vector<16x32xi32>
    %rem3A_92 = vector.broadcast %jit3A_71 : i32 to vector<16x32xi32>
    %rem3A_93 = arith.remsi %iota3A_70, %rem3A_92 : vector<16x32xi32>
    %ne3A_94 = arith.constant 0 : i32
    %ne3A_95 = vector.broadcast %ne3A_94 : i32 to vector<16x32xi32>
    %ne3A_96 = arith.cmpi ne, %rem3A_93, %ne3A_95 : vector<16x32xi32>
    %and3A_97 = arith.andi %ne3A_91, %ne3A_96 : vector<16x32xi1>
    %sub3A_98 = arith.constant 1 : i32
    %sub3A_99 = vector.broadcast %sub3A_98 : i32 to vector<16x32xi32>
    %sub3A_100 = arith.subi %div3A_73, %sub3A_99 : vector<16x32xi32>
    %select_n3A_101 = arith.select %and3A_97, %sub3A_100, %div3A_73 : vector<16x32xi1>, vector<16x32xi32>
    %eq3A_102 = arith.cmpi eq, %select_n3A_101, %iota3A_69 : vector<16x32xi32>
    %convert_element_type3A_103 = arith.extui %eq3A_102 : vector<16x32xi1> to vector<16x32xi32>
    %convert_element_type3A_104 = arith.sitofp %convert_element_type3A_103 : vector<16x32xi32> to vector<16x32xf32>
    %iota3A_105 = tpu.iota {dimensions = array<i32: 0>} : vector<32x16xi32>
    %iota3A_106 = tpu.iota {dimensions = array<i32: 1>} : vector<32x16xi32>
    %jit3A_107 = arith.constant 2 : i32
    %div3A_108 = vector.broadcast %jit3A_107 : i32 to vector<32x16xi32>
    %div3A_109 = arith.divsi %iota3A_105, %div3A_108 : vector<32x16xi32>
    %sign3A_110 = arith.constant 0 : i32
    %sign3A_111 = vector.broadcast %sign3A_110 : i32 to vector<32x16xi32>
    %sign3A_112 = arith.cmpi sgt, %iota3A_105, %sign3A_111 : vector<32x16xi32>
    %sign3A_113 = arith.extui %sign3A_112 : vector<32x16xi1> to vector<32x16xi32>
    %sign3A_114 = arith.constant 0 : i32
    %sign3A_115 = vector.broadcast %sign3A_114 : i32 to vector<32x16xi32>
    %sign3A_116 = arith.cmpi slt, %iota3A_105, %sign3A_115 : vector<32x16xi32>
    %sign3A_117 = arith.extui %sign3A_116 : vector<32x16xi1> to vector<32x16xi32>
    %sign3A_118 = arith.subi %sign3A_113, %sign3A_117 : vector<32x16xi32>
    %sign3A_119 = arith.constant 0 : i32
    %sign3A_120 = arith.cmpi sgt, %jit3A_107, %sign3A_119 : i32
    %sign3A_121 = arith.extui %sign3A_120 : i1 to i32
    %sign3A_122 = arith.constant 0 : i32
    %sign3A_123 = arith.cmpi slt, %jit3A_107, %sign3A_122 : i32
    %sign3A_124 = arith.extui %sign3A_123 : i1 to i32
    %sign3A_125 = arith.subi %sign3A_121, %sign3A_124 : i32
    %ne3A_126 = vector.broadcast %sign3A_125 : i32 to vector<32x16xi32>
    %ne3A_127 = arith.cmpi ne, %sign3A_118, %ne3A_126 : vector<32x16xi32>
    %rem3A_128 = vector.broadcast %jit3A_107 : i32 to vector<32x16xi32>
    %rem3A_129 = arith.remsi %iota3A_105, %rem3A_128 : vector<32x16xi32>
    %ne3A_130 = arith.constant 0 : i32
    %ne3A_131 = vector.broadcast %ne3A_130 : i32 to vector<32x16xi32>
    %ne3A_132 = arith.cmpi ne, %rem3A_129, %ne3A_131 : vector<32x16xi32>
    %and3A_133 = arith.andi %ne3A_127, %ne3A_132 : vector<32x16xi1>
    %sub3A_134 = arith.constant 1 : i32
    %sub3A_135 = vector.broadcast %sub3A_134 : i32 to vector<32x16xi32>
    %sub3A_136 = arith.subi %div3A_109, %sub3A_135 : vector<32x16xi32>
    %select_n3A_137 = arith.select %and3A_133, %sub3A_136, %div3A_109 : vector<32x16xi1>, vector<32x16xi32>
    %eq3A_138 = arith.cmpi eq, %iota3A_106, %select_n3A_137 : vector<32x16xi32>
    %convert_element_type3A_139 = arith.extui %eq3A_138 : vector<32x16xi1> to vector<32x16xi32>
    %convert_element_type3A_140 = arith.sitofp %convert_element_type3A_139 : vector<32x16xi32> to vector<32x16xf32>
    %dot_general3A = arith.constant dense<0.000000e+00> : vector<16x1089xf32>
    %dot_general3A_141 = tpu.matmul %convert_element_type3A_32, %get3A_1, %dot_general3A {dimension_numbers = #tpu.dot_dimension_numbers<[1], [0], [0], [1], [0, 0, 1, 1], [], []>, precision = #tpu.contract_precision<fp32>, transpose_lhs_hint = false} : vector<16x512xf32>, vector<512x1089xf32>, vector<16x1089xf32> -> vector<16x1089xf32>
    %dot_general3A_142 = arith.constant dense<0.000000e+00> : vector<16x1089xf32>
    %dot_general3A_143 = tpu.matmul %convert_element_type3A_32, %get3A_4, %dot_general3A_142 {dimension_numbers = #tpu.dot_dimension_numbers<[1], [0], [0], [1], [0, 0, 1, 1], [], []>, precision = #tpu.contract_precision<fp32>, transpose_lhs_hint = false} : vector<16x512xf32>, vector<512x1089xf32>, vector<16x1089xf32> -> vector<16x1089xf32>
    %slice3A = vector.extract_strided_slice %dot_general3A_141 {offsets = [0, 0], sizes = [16, 1024], strides = [1, 1]} : vector<16x1089xf32> to vector<16x1024xf32>
    %slice3A_144 = vector.extract_strided_slice %dot_general3A_143 {offsets = [0, 0], sizes = [16, 1024], strides = [1, 1]} : vector<16x1089xf32> to vector<16x1024xf32>
    %dot_general3A_145 = arith.constant dense<0.000000e+00> : vector<32x1089xf32>
    %dot_general3A_146 = tpu.matmul %convert_element_type3A_68, %get3A_1, %dot_general3A_145 {dimension_numbers = #tpu.dot_dimension_numbers<[1], [0], [0], [1], [0, 0, 1, 1], [], []>, precision = #tpu.contract_precision<fp32>, transpose_lhs_hint = false} : vector<32x512xf32>, vector<512x1089xf32>, vector<32x1089xf32> -> vector<32x1089xf32>
    %slice3A_147 = vector.extract_strided_slice %dot_general3A_146 {offsets = [0, 1024], sizes = [32, 64], strides = [1, 1]} : vector<32x1089xf32> to vector<32x64xf32>
    %dot_general3A_148 = arith.constant dense<0.000000e+00> : vector<32x1089xf32>
    %dot_general3A_149 = tpu.matmul %convert_element_type3A_68, %get3A_4, %dot_general3A_148 {dimension_numbers = #tpu.dot_dimension_numbers<[1], [0], [0], [1], [0, 0, 1, 1], [], []>, precision = #tpu.contract_precision<fp32>, transpose_lhs_hint = false} : vector<32x512xf32>, vector<512x1089xf32>, vector<32x1089xf32> -> vector<32x1089xf32>
    %slice3A_150 = vector.extract_strided_slice %dot_general3A_149 {offsets = [0, 1024], sizes = [32, 64], strides = [1, 1]} : vector<32x1089xf32> to vector<32x64xf32>
    %reduce_sum3A = arith.constant dense<0.000000e+00> : vector<32xf32>
    %reduce_sum3A_151 = vector.multi_reduction <add>, %get3A_7, %reduce_sum3A [1] : vector<32x16xf32> to vector<32xf32>
    %broadcast_in_dim3A = vector.shape_cast %reduce_sum3A_151 : vector<32xf32> to vector<32x1xf32>
    %dot_general3A_152 = arith.constant dense<0.000000e+00> : vector<16x1xf32>
    %dot_general3A_153 = tpu.matmul %convert_element_type3A_104, %broadcast_in_dim3A, %dot_general3A_152 {dimension_numbers = #tpu.dot_dimension_numbers<[1], [0], [0], [1], [0, 0, 1, 1], [], []>, precision = #tpu.contract_precision<fp32>, transpose_lhs_hint = false} : vector<16x32xf32>, vector<32x1xf32>, vector<16x1xf32> -> vector<16x1xf32>
    %mul3A = arith.constant 2.000000e+00 : f32
    %mul3A_154 = vector.broadcast %mul3A : f32 to vector<16x1xf32>
    %mul3A_155 = arith.mulf %mul3A_154, %dot_general3A_153 : vector<16x1xf32>
    %min3A = arith.constant 2.621430e+05 : f32
    %min3A_156 = vector.broadcast %min3A : f32 to vector<16x1xf32>
    %min3A_157 = arith.minimumf %mul3A_155, %min3A_156 : vector<16x1xf32>
    %iota3A_158 = tpu.iota {dimensions = array<i32: 0>} : vector<1024x1024xi32>
    %iota3A_159 = tpu.iota {dimensions = array<i32: 1>} : vector<1024x1024xi32>
    %ge3A = arith.cmpi sge, %iota3A_158, %iota3A_159 : vector<1024x1024xi32>
    %convert_element_type3A_160 = arith.extui %ge3A : vector<1024x1024xi1> to vector<1024x1024xi32>
    %convert_element_type3A_161 = arith.sitofp %convert_element_type3A_160 : vector<1024x1024xi32> to vector<1024x1024xf32>
    %dot_general3A_162 = arith.constant dense<0.000000e+00> : vector<16x1024xf32>
    %dot_general3A_163 = tpu.matmul %slice3A, %convert_element_type3A_161, %dot_general3A_162 {dimension_numbers = #tpu.dot_dimension_numbers<[1], [0], [0], [1], [0, 0, 1, 1], [], []>, precision = #tpu.contract_precision<fp32>, transpose_lhs_hint = false} : vector<16x1024xf32>, vector<1024x1024xf32>, vector<16x1024xf32> -> vector<16x1024xf32>
    %iota3A_164 = tpu.iota {dimensions = array<i32: 1>} : vector<16x1024xi32>
    %convert_element_type3A_165 = arith.sitofp %iota3A_164 : vector<16x1024xi32> to vector<16x1024xf32>
    %ge3A_166 = vector.broadcast %min3A_157 : vector<16x1xf32> to vector<16x1024xf32>
    %ge3A_167 = arith.cmpf oge, %dot_general3A_163, %ge3A_166 : vector<16x1024xf32>
    %jit3A_168 = arith.constant 0.000000e+00 : f32
    %broadcast_in_dim3A_169 = vector.broadcast %jit3A_168 : f32 to vector<16x1024xf32>
    %select_n3A_170 = arith.select %ge3A_167, %convert_element_type3A_165, %broadcast_in_dim3A_169 : vector<16x1024xi1>, vector<16x1024xf32>
    %reduce_max3A = arith.constant dense<0xFF800000> : vector<16xf32>
    %reduce_max3A_171 = vector.multi_reduction <maximumf>, %select_n3A_170, %reduce_max3A [1] : vector<16x1024xf32> to vector<16xf32>
    %broadcast_in_dim3A_172 = vector.shape_cast %reduce_max3A_171 : vector<16xf32> to vector<16x1xf32>
    %gt3A = vector.broadcast %broadcast_in_dim3A_172 : vector<16x1xf32> to vector<16x1024xf32>
    %gt3A_173 = arith.cmpf ogt, %convert_element_type3A_165, %gt3A : vector<16x1024xf32>
    %jit3A_174 = arith.constant 0.000000e+00 : f32
    %broadcast_in_dim3A_175 = vector.broadcast %jit3A_174 : f32 to vector<16x1024xf32>
    %select_n3A_176 = arith.select %gt3A_173, %slice3A, %broadcast_in_dim3A_175 : vector<16x1024xi1>, vector<16x1024xf32>
    %reduce_sum3A_177 = arith.constant dense<0.000000e+00> : vector<16xf32>
    %reduce_sum3A_178 = vector.multi_reduction <add>, %select_n3A_176, %reduce_sum3A_177 [1] : vector<16x1024xf32> to vector<16xf32>
    %broadcast_in_dim3A_179 = vector.shape_cast %reduce_sum3A_178 : vector<16xf32> to vector<16x1xf32>
    %jit3A_180 = arith.constant 0.000000e+00 : f32
    %broadcast_in_dim3A_181 = vector.broadcast %jit3A_180 : f32 to vector<16x1024xf32>
    %select_n3A_182 = arith.select %gt3A_173, %slice3A_144, %broadcast_in_dim3A_181 : vector<16x1024xi1>, vector<16x1024xf32>
    %reduce_sum3A_183 = arith.constant dense<0.000000e+00> : vector<16xf32>
    %reduce_sum3A_184 = vector.multi_reduction <add>, %select_n3A_182, %reduce_sum3A_183 [1] : vector<16x1024xf32> to vector<16xf32>
    %broadcast_in_dim3A_185 = vector.shape_cast %reduce_sum3A_184 : vector<16xf32> to vector<16x1xf32>
    %eq3A_186 = vector.broadcast %broadcast_in_dim3A_172 : vector<16x1xf32> to vector<16x1024xf32>
    %eq3A_187 = arith.cmpf oeq, %convert_element_type3A_165, %eq3A_186 : vector<16x1024xf32>
    %jit3A_188 = arith.constant 0.000000e+00 : f32
    %broadcast_in_dim3A_189 = vector.broadcast %jit3A_188 : f32 to vector<16x1024xf32>
    %select_n3A_190 = arith.select %eq3A_187, %slice3A, %broadcast_in_dim3A_189 : vector<16x1024xi1>, vector<16x1024xf32>
    %reduce_sum3A_191 = arith.constant dense<0.000000e+00> : vector<16xf32>
    %reduce_sum3A_192 = vector.multi_reduction <add>, %select_n3A_190, %reduce_sum3A_191 [1] : vector<16x1024xf32> to vector<16xf32>
    %broadcast_in_dim3A_193 = vector.shape_cast %reduce_sum3A_192 : vector<16xf32> to vector<16x1xf32>
    %jit3A_194 = arith.constant 0.000000e+00 : f32
    %broadcast_in_dim3A_195 = vector.broadcast %jit3A_194 : f32 to vector<16x1024xf32>
    %select_n3A_196 = arith.select %eq3A_187, %slice3A_144, %broadcast_in_dim3A_195 : vector<16x1024xi1>, vector<16x1024xf32>
    %reduce_sum3A_197 = arith.constant dense<0.000000e+00> : vector<16xf32>
    %reduce_sum3A_198 = vector.multi_reduction <add>, %select_n3A_196, %reduce_sum3A_197 [1] : vector<16x1024xf32> to vector<16xf32>
    %broadcast_in_dim3A_199 = vector.shape_cast %reduce_sum3A_198 : vector<16xf32> to vector<16x1xf32>
    %sub3A_200 = arith.subf %min3A_157, %broadcast_in_dim3A_179 : vector<16x1xf32>
    %gt3A_201 = arith.constant 0.000000e+00 : f32
    %gt3A_202 = vector.broadcast %gt3A_201 : f32 to vector<16x1xf32>
    %gt3A_203 = arith.cmpf ogt, %sub3A_200, %gt3A_202 : vector<16x1xf32>
    %mul3A_204 = arith.mulf %sub3A_200, %broadcast_in_dim3A_199 : vector<16x1xf32>
    %max3A = arith.constant 1.000000e+00 : f32
    %max3A_205 = vector.broadcast %max3A : f32 to vector<16x1xf32>
    %max3A_206 = arith.maximumf %broadcast_in_dim3A_193, %max3A_205 : vector<16x1xf32>
    %div3A_207 = arith.divf %mul3A_204, %max3A_206 : vector<16x1xf32>
    %jit3A_208 = arith.constant 0.000000e+00 : f32
    %broadcast_in_dim3A_209 = vector.broadcast %jit3A_208 : f32 to vector<16x1xf32>
    %select_n3A_210 = arith.select %gt3A_203, %div3A_207, %broadcast_in_dim3A_209 : vector<16x1xi1>, vector<16x1xf32>
    %add3A = arith.addf %broadcast_in_dim3A_185, %select_n3A_210 : vector<16x1xf32>
    %ge3A_211 = arith.constant 1.000000e+00 : f32
    %ge3A_212 = vector.broadcast %ge3A_211 : f32 to vector<16x1024xf32>
    %ge3A_213 = arith.cmpf oge, %convert_element_type3A_165, %ge3A_212 : vector<16x1024xf32>
    %jit3A_214 = arith.constant 0.000000e+00 : f32
    %broadcast_in_dim3A_215 = vector.broadcast %jit3A_214 : f32 to vector<16x1024xf32>
    %select_n3A_216 = arith.select %ge3A_213, %slice3A, %broadcast_in_dim3A_215 : vector<16x1024xi1>, vector<16x1024xf32>
    %reduce_sum3A_217 = arith.constant dense<0.000000e+00> : vector<16xf32>
    %reduce_sum3A_218 = vector.multi_reduction <add>, %select_n3A_216, %reduce_sum3A_217 [1] : vector<16x1024xf32> to vector<16xf32>
    %broadcast_in_dim3A_219 = vector.shape_cast %reduce_sum3A_218 : vector<16xf32> to vector<16x1xf32>
    %jit3A_220 = arith.constant 0.000000e+00 : f32
    %broadcast_in_dim3A_221 = vector.broadcast %jit3A_220 : f32 to vector<16x1024xf32>
    %select_n3A_222 = arith.select %ge3A_213, %slice3A_144, %broadcast_in_dim3A_221 : vector<16x1024xi1>, vector<16x1024xf32>
    %reduce_sum3A_223 = arith.constant dense<0.000000e+00> : vector<16xf32>
    %reduce_sum3A_224 = vector.multi_reduction <add>, %select_n3A_222, %reduce_sum3A_223 [1] : vector<16x1024xf32> to vector<16xf32>
    %broadcast_in_dim3A_225 = vector.shape_cast %reduce_sum3A_224 : vector<16xf32> to vector<16x1xf32>
    %reduce_sum3A_226 = arith.constant dense<0.000000e+00> : vector<32xf32>
    %reduce_sum3A_227 = vector.multi_reduction <add>, %slice3A_147, %reduce_sum3A_226 [1] : vector<32x64xf32> to vector<32xf32>
    %broadcast_in_dim3A_228 = vector.shape_cast %reduce_sum3A_227 : vector<32xf32> to vector<32x1xf32>
    %reduce_sum3A_229 = arith.constant dense<0.000000e+00> : vector<32xf32>
    %reduce_sum3A_230 = vector.multi_reduction <add>, %slice3A_150, %reduce_sum3A_229 [1] : vector<32x64xf32> to vector<32xf32>
    %broadcast_in_dim3A_231 = vector.shape_cast %reduce_sum3A_230 : vector<32xf32> to vector<32x1xf32>
    %dot_general3A_232 = arith.constant dense<0.000000e+00> : vector<16x1xf32>
    %dot_general3A_233 = tpu.matmul %convert_element_type3A_104, %broadcast_in_dim3A_231, %dot_general3A_232 {dimension_numbers = #tpu.dot_dimension_numbers<[1], [0], [0], [1], [0, 0, 1, 1], [], []>, precision = #tpu.contract_precision<fp32>, transpose_lhs_hint = false} : vector<16x32xf32>, vector<32x1xf32>, vector<16x1xf32> -> vector<16x1xf32>
    %slice3A_234 = vector.extract_strided_slice %slice3A {offsets = [0, 0], sizes = [16, 1], strides = [1, 1]} : vector<16x1024xf32> to vector<16x1xf32>
    %slice3A_235 = vector.extract_strided_slice %slice3A_144 {offsets = [0, 0], sizes = [16, 1], strides = [1, 1]} : vector<16x1024xf32> to vector<16x1xf32>
    %sub3A_236 = arith.subf %min3A_157, %broadcast_in_dim3A_219 : vector<16x1xf32>
    %max3A_237 = arith.constant 0.000000e+00 : f32
    %max3A_238 = vector.broadcast %max3A_237 : f32 to vector<16x1xf32>
    %max3A_239 = arith.maximumf %sub3A_236, %max3A_238 : vector<16x1xf32>
    %min3A_240 = arith.minimumf %max3A_239, %slice3A_234 : vector<16x1xf32>
    %mul3A_241 = arith.mulf %min3A_240, %slice3A_235 : vector<16x1xf32>
    %max3A_242 = arith.constant 1.000000e+00 : f32
    %max3A_243 = vector.broadcast %max3A_242 : f32 to vector<16x1xf32>
    %max3A_244 = arith.maximumf %slice3A_234, %max3A_243 : vector<16x1xf32>
    %div3A_245 = arith.divf %mul3A_241, %max3A_244 : vector<16x1xf32>
    %sub3A_246 = arith.subf %max3A_239, %min3A_240 : vector<16x1xf32>
    %iota3A_247 = tpu.iota {dimensions = array<i32: 0>} : vector<64x64xi32>
    %iota3A_248 = tpu.iota {dimensions = array<i32: 1>} : vector<64x64xi32>
    %lt3A = arith.cmpi slt, %iota3A_247, %iota3A_248 : vector<64x64xi32>
    %convert_element_type3A_249 = arith.extui %lt3A : vector<64x64xi1> to vector<64x64xi32>
    %convert_element_type3A_250 = arith.sitofp %convert_element_type3A_249 : vector<64x64xi32> to vector<64x64xf32>
    %dot_general3A_251 = arith.constant dense<0.000000e+00> : vector<32x64xf32>
    %dot_general3A_252 = tpu.matmul %slice3A_147, %convert_element_type3A_250, %dot_general3A_251 {dimension_numbers = #tpu.dot_dimension_numbers<[1], [0], [0], [1], [0, 0, 1, 1], [], []>, precision = #tpu.contract_precision<fp32>, transpose_lhs_hint = false} : vector<32x64xf32>, vector<64x64xf32>, vector<32x64xf32> -> vector<32x64xf32>
    %iota3A_253 = tpu.iota {dimensions = array<i32: 0>} : vector<32x32xi32>
    %iota3A_254 = tpu.iota {dimensions = array<i32: 1>} : vector<32x32xi32>
    %jit3A_255 = arith.constant 2 : i32
    %eq3A_256 = arith.constant 0 : i32
    %eq3A_257 = arith.cmpi eq, %jit3A_255, %eq3A_256 : i32
    %jit3A_258 = arith.constant 1 : i32
    %select_n3A_259 = arith.select %eq3A_257, %jit3A_258, %jit3A_255 : i32
    %rem3A_260 = vector.broadcast %select_n3A_259 : i32 to vector<32x32xi32>
    %rem3A_261 = arith.remsi %iota3A_253, %rem3A_260 : vector<32x32xi32>
    %ne3A_262 = arith.constant 0 : i32
    %ne3A_263 = vector.broadcast %ne3A_262 : i32 to vector<32x32xi32>
    %ne3A_264 = arith.cmpi ne, %rem3A_261, %ne3A_263 : vector<32x32xi32>
    %lt3A_265 = arith.constant 0 : i32
    %lt3A_266 = vector.broadcast %lt3A_265 : i32 to vector<32x32xi32>
    %lt3A_267 = arith.cmpi slt, %rem3A_261, %lt3A_266 : vector<32x32xi32>
    %lt3A_268 = arith.constant 0 : i32
    %lt3A_269 = arith.cmpi slt, %select_n3A_259, %lt3A_268 : i32
    %ne3A_270 = vector.broadcast %lt3A_269 : i1 to vector<32x32xi1>
    %ne3A_271 = vector.broadcast %ne3A_270 : vector<32x32xi1> to vector<32x32xi1>
    %ne3A_272 = arith.xori %lt3A_267, %ne3A_271 : vector<32x32xi1>
    %and3A_273 = arith.andi %ne3A_272, %ne3A_264 : vector<32x32xi1>
    %add3A_274 = vector.broadcast %select_n3A_259 : i32 to vector<32x32xi32>
    %add3A_275 = arith.addi %rem3A_261, %add3A_274 : vector<32x32xi32>
    %select_n3A_276 = arith.select %and3A_273, %add3A_275, %rem3A_261 : vector<32x32xi1>, vector<32x32xi32>
    %eq3A_277 = arith.constant 1 : i32
    %eq3A_278 = vector.broadcast %eq3A_277 : i32 to vector<32x32xi32>
    %eq3A_279 = arith.cmpi eq, %select_n3A_276, %eq3A_278 : vector<32x32xi32>
    %sub3A_280 = arith.constant 1 : i32
    %sub3A_281 = vector.broadcast %sub3A_280 : i32 to vector<32x32xi32>
    %sub3A_282 = arith.subi %iota3A_253, %sub3A_281 : vector<32x32xi32>
    %eq3A_283 = arith.cmpi eq, %iota3A_254, %sub3A_282 : vector<32x32xi32>
    %and3A_284 = arith.andi %eq3A_279, %eq3A_283 : vector<32x32xi1>
    %convert_element_type3A_285 = arith.extui %and3A_284 : vector<32x32xi1> to vector<32x32xi32>
    %convert_element_type3A_286 = arith.sitofp %convert_element_type3A_285 : vector<32x32xi32> to vector<32x32xf32>
    %dot_general3A_287 = arith.constant dense<0.000000e+00> : vector<32x1xf32>
    %dot_general3A_288 = tpu.matmul %convert_element_type3A_286, %broadcast_in_dim3A_228, %dot_general3A_287 {dimension_numbers = #tpu.dot_dimension_numbers<[1], [0], [0], [1], [0, 0, 1, 1], [], []>, precision = #tpu.contract_precision<fp32>, transpose_lhs_hint = false} : vector<32x32xf32>, vector<32x1xf32>, vector<32x1xf32> -> vector<32x1xf32>
    %add3A_289 = vector.broadcast %dot_general3A_288 : vector<32x1xf32> to vector<32x64xf32>
    %add3A_290 = arith.addf %dot_general3A_252, %add3A_289 : vector<32x64xf32>
    %dot_general3A_291 = arith.constant dense<0.000000e+00> : vector<32x1xf32>
    %dot_general3A_292 = tpu.matmul %convert_element_type3A_140, %sub3A_246, %dot_general3A_291 {dimension_numbers = #tpu.dot_dimension_numbers<[1], [0], [0], [1], [0, 0, 1, 1], [], []>, precision = #tpu.contract_precision<fp32>, transpose_lhs_hint = false} : vector<32x16xf32>, vector<16x1xf32>, vector<32x1xf32> -> vector<32x1xf32>
    %sub3A_293 = vector.broadcast %dot_general3A_292 : vector<32x1xf32> to vector<32x64xf32>
    %sub3A_294 = arith.subf %sub3A_293, %add3A_290 : vector<32x64xf32>
    %jit3A_295 = arith.constant 0.000000e+00 : f32
    %max3A_296 = vector.broadcast %jit3A_295 : f32 to vector<32x64xf32>
    %max3A_297 = arith.maximumf %max3A_296, %sub3A_294 : vector<32x64xf32>
    %min3A_298 = arith.minimumf %slice3A_147, %max3A_297 : vector<32x64xf32>
    %max3A_299 = arith.constant 1.000000e+00 : f32
    %max3A_300 = vector.broadcast %max3A_299 : f32 to vector<32x64xf32>
    %max3A_301 = arith.maximumf %slice3A_147, %max3A_300 : vector<32x64xf32>
    %div3A_302 = arith.divf %min3A_298, %max3A_301 : vector<32x64xf32>
    %mul3A_303 = arith.mulf %div3A_302, %slice3A_150 : vector<32x64xf32>
    %reduce_sum3A_304 = arith.constant dense<0.000000e+00> : vector<32xf32>
    %reduce_sum3A_305 = vector.multi_reduction <add>, %mul3A_303, %reduce_sum3A_304 [1] : vector<32x64xf32> to vector<32xf32>
    %broadcast_in_dim3A_306 = vector.shape_cast %reduce_sum3A_305 : vector<32xf32> to vector<32x1xf32>
    %dot_general3A_307 = arith.constant dense<0.000000e+00> : vector<16x1xf32>
    %dot_general3A_308 = tpu.matmul %convert_element_type3A_104, %broadcast_in_dim3A_306, %dot_general3A_307 {dimension_numbers = #tpu.dot_dimension_numbers<[1], [0], [0], [1], [0, 0, 1, 1], [], []>, precision = #tpu.contract_precision<fp32>, transpose_lhs_hint = false} : vector<16x32xf32>, vector<32x1xf32>, vector<16x1xf32> -> vector<16x1xf32>
    %add3A_309 = arith.addf %broadcast_in_dim3A_225, %div3A_245 : vector<16x1xf32>
    %add3A_310 = arith.addf %add3A_309, %dot_general3A_308 : vector<16x1xf32>
    %eq3A_311 = arith.constant 0.000000e+00 : f32
    %eq3A_312 = vector.broadcast %eq3A_311 : f32 to vector<16x1xf32>
    %eq3A_313 = arith.cmpf oeq, %broadcast_in_dim3A_172, %eq3A_312 : vector<16x1xf32>
    %select_n3A_314 = arith.select %eq3A_313, %add3A_310, %add3A : vector<16x1xi1>, vector<16x1xf32>
    %reduce_sum3A_315 = vector.shape_cast %dot_general3A_153 : vector<16x1xf32> to vector<1x16x1xf32>
    %reduce_sum3A_316 = arith.constant dense<0.000000e+00> : vector<1xf32>
    %reduce_sum3A_317 = vector.multi_reduction <add>, %reduce_sum3A_315, %reduce_sum3A_316 [1, 2] : vector<1x16x1xf32> to vector<1xf32>
    %reduce_sum3A_318 = vector.shape_cast %reduce_sum3A_317 : vector<1xf32> to vector<1x1x1xf32>
    %reduce_sum3A_319 = vector.extract %reduce_sum3A_318[0, 0, 0] : f32 from vector<1x1x1xf32>
    %max3A_320 = arith.constant 1.000000e+00 : f32
    %max3A_321 = arith.maximumf %reduce_sum3A_319, %max3A_320 : f32
    %reduce_sum3A_322 = vector.shape_cast %min3A_157 : vector<16x1xf32> to vector<1x16x1xf32>
    %reduce_sum3A_323 = arith.constant dense<0.000000e+00> : vector<1xf32>
    %reduce_sum3A_324 = vector.multi_reduction <add>, %reduce_sum3A_322, %reduce_sum3A_323 [1, 2] : vector<1x16x1xf32> to vector<1xf32>
    %reduce_sum3A_325 = vector.shape_cast %reduce_sum3A_324 : vector<1xf32> to vector<1x1x1xf32>
    %reduce_sum3A_326 = vector.extract %reduce_sum3A_325[0, 0, 0] : f32 from vector<1x1x1xf32>
    %max3A_327 = arith.constant 1.000000e+00 : f32
    %max3A_328 = arith.maximumf %reduce_sum3A_326, %max3A_327 : f32
    %reduce_sum3A_329 = vector.shape_cast %dot_general3A_233 : vector<16x1xf32> to vector<1x16x1xf32>
    %reduce_sum3A_330 = arith.constant dense<0.000000e+00> : vector<1xf32>
    %reduce_sum3A_331 = vector.multi_reduction <add>, %reduce_sum3A_329, %reduce_sum3A_330 [1, 2] : vector<1x16x1xf32> to vector<1xf32>
    %reduce_sum3A_332 = vector.shape_cast %reduce_sum3A_331 : vector<1xf32> to vector<1x1x1xf32>
    %reduce_sum3A_333 = vector.extract %reduce_sum3A_332[0, 0, 0] : f32 from vector<1x1x1xf32>
    %div3A_334 = arith.divf %reduce_sum3A_333, %max3A_321 : f32
    %mul3A_335 = arith.constant 2.000000e+00 : f32
    %mul3A_336 = arith.mulf %mul3A_335, %div3A_334 : f32
    %reduce_sum3A_337 = vector.shape_cast %select_n3A_314 : vector<16x1xf32> to vector<1x16x1xf32>
    %reduce_sum3A_338 = arith.constant dense<0.000000e+00> : vector<1xf32>
    %reduce_sum3A_339 = vector.multi_reduction <add>, %reduce_sum3A_337, %reduce_sum3A_338 [1, 2] : vector<1x16x1xf32> to vector<1xf32>
    %reduce_sum3A_340 = vector.shape_cast %reduce_sum3A_339 : vector<1xf32> to vector<1x1x1xf32>
    %reduce_sum3A_341 = vector.extract %reduce_sum3A_340[0, 0, 0] : f32 from vector<1x1x1xf32>
    %div3A_342 = arith.divf %reduce_sum3A_341, %max3A_328 : f32
    %add3A_343 = arith.addf %mul3A_336, %div3A_342 : f32
    %swap3A = arith.constant 0 : index
    %swap3A_344 = arith.constant 0 : index
    %swap3A_345 = memref.load %arg3[%swap3A, %swap3A_344] : memref<1x1xf32, #tpu.memory_space<smem>>
    memref.store %add3A_343, %arg3[%swap3A, %swap3A_344] : memref<1x1xf32, #tpu.memory_space<smem>>
    return
  }
}

</mosaic_0001>

<sc_bundles>
// kernel: kernel.4.cloned.1.call-start
scs
__scs_entry_jumppad:
0x0: {  	(pc) =	sbr.rel $0x88, $3  }
0x1: {  	(tag) =	ssettag $0x0;
	lr =	simm.s32 $0x1  }
0x2: {  	[smem:$0x3F9F] =	sst lr;
	_ =	strace $0xD0000000  }
0x3: {  	_ = 	snop  }
0x4: {  	_ = 	snop  }
0x5: {  	_ = 	snop  }
0x6: {  	_ = 	snop  }
0x7: {  	_ = 	snop  }
__scs_overlays_trampoline_lowered:
0x8: {  	[smem:$0x3FAE] =	sst s0  }
0x9: {  	[smem:$0x3FAF] =	sst s1  }
0xa: {  	[smem:$0x3FB0] =	sst s2  }
0xb: {  	[smem:$0x3FB1] =	sst s3  }
0xc: {  	[smem:$0x3FB2] =	sst s4  }
0xd: {  	[smem:$0x3FB3] =	sst s5  }
0xe: {  	[smem:$0x3FB4] =	sst s6  }
0xf: {  	[smem:$0x3FB5] =	sst s7  }
0x10: {  	[smem:$0x3FB6] =	sst s8  }
0x11: {  	[smem:$0x3FB7] =	sst s9;
	s0 =	simm.s32 @!p0 $0x0  }
0x12: {  	s1 =	sld [smem:$0x3F9D];
	s0 =	simm.s32 @p0 $0x1  }
0x13: {  	[smem:$0x3FB8] =	sst s0;
	s0 =	simm.s32 @!p1 $0x0  }
0x14: {  	s2 =	sld [smem:$0x3F9C];
	s0 =	simm.s32 @p1 $0x1  }
0x15: {  	[smem:$0x3FB9] =	sst s0;
	s0 =	simm.s32 @!p2 $0x0  }
0x16: {  	s3 =	sld [smem:$0x3FDB];
	s0 =	simm.s32 @p2 $0x1  }
0x17: {  	s4 =	simm.s32 $0x1BF5;
	[smem:$0x3FBB] =	sst s0  }
0x18: {  	s0 =	sld [smem:$0x3F9E];
	_ =	swait.ge [sflag:s4], $0x0  }
0x19: {  	s7 =	sld [smem:$0x3F9F]  }
0x1a: {  	s8 =	sadd.s32 $0xFFFFE003, lr  }
0x1b: {  	s9 =	sadd.s32 $0xFFFFFEF7, lr;
	s5 =	simm.s32 $0xFFFFFFFF;
	p2 =	slt.u32 s8, $0xFFFFF086  }
0x1c: {  	p1 =	slt.u32 s9, $0xF7A;
	s5 =	simm.s32 @!p2 $0x0  }
0x1d: {  	s5 =	simm.s32 @p1 $0x1;
	p0 =	seq.s32 s7, s2  }
0x1e: {  	s7 =	smul.u32 @!p0 $0xF7A, s2;
	p2 =	seq.s32 @!p0 s5, $0x0  }
0x1f: {  	s9 =	smul.u32 $0xF7A, s1;
	s8 =	simm.s32 @!p0 $0x1BF5;
	p2 =	por !p2, p0  }
0x20: {  	[sflag:s8] =	ssyncset.s32 @!p0 $0xFFFFF086;
	s6 =	sadd.s32 @!p0 s3, s7;
	s7 =	simm.s32 @!p0 $0x108  }
0x21: {  	s3 =	sadd.s32 s3, s9;
	s6 =	sadd.s32 @!p0 $0x88, s6;
	s7 =	simm.s32 @p2 $0x1082  }
0x22: {  	[simem:s7], [sflag:s8] =	dma.local @!p0 [hbm:s6], $0xF7A  }
0x23: {  	s9 =	sor.u32 $0xD0000000, s2;
	s6 =	simm.s32 $0x108;
	_ =	swait.ge @!p0 [sflag:s8], $0x0  }
0x24: {  	s3 =	sadd.s32 $0x88, s3;
	s6 =	simm.s32 @!p1 $0x1082;
	[sflag:s4] =	ssyncset.s32 $0xFFFFF086  }
0x25: {  	[simem:s6], [sflag:s4] =	dma.local [hbm:s3], $0xF7A  }
0x26: {  	[smem:$0x3F9F] =	sst s1;
	(tag) =	ssettag s2;
	_ =	strace s9  }
0x27: {  	s1 =	sld [smem:$0x3FAF]  }
0x28: {  	s2 =	sld [smem:$0x3FB0]  }
0x29: {  	s4 =	sld [smem:$0x3FB2]  }
0x2a: {  	p0 =	seq.s32 s5, $0x0;
	s5 =	sld [smem:$0x3FB3]  }
0x2b: {  	s6 =	sld [smem:$0x3FB4]  }
0x2c: {  	s7 =	sld [smem:$0x3FB5]  }
0x2d: {  	s3 =	simm.s32 $0x108;
	s8 =	sld [smem:$0x3FB6]  }
0x2e: {  	s3 =	simm.s32 @!p0 $0x1082;
	s9 =	sld [smem:$0x3FB7]  }
0x2f: {  	lr =	sadd.s32 s0, s3;
	s0 =	sld [smem:$0x3FAE]  }
0x30: {  	s3 =	sld [smem:$0x3FB1]  }
0x31: {  	[smem:$0x3FBA] =	sst s10  }
0x32: {  	s10 =	sld [smem:$0x3FB8];
	_ =	sdelay $0x3  }
0x33: {  	p0 =	seq.s32 s10, $0x1;
	s10 =	sld [smem:$0x3FBA];
	_ =	sdelay $0x3  }
0x34: {  	[smem:$0x3FBA] =	sst s10  }
0x35: {  	s10 =	sld [smem:$0x3FB9];
	_ =	sdelay $0x3  }
0x36: {  	p1 =	seq.s32 s10, $0x1;
	s10 =	sld [smem:$0x3FBA];
	_ =	sdelay $0x3  }
0x37: {  	[smem:$0x3FBA] =	sst s10  }
0x38: {  	s10 =	sld [smem:$0x3FBB]  }
0x39: {  	_ = 	snop;
	(pc) =	sbr.ind lr, $3  }
0x3a: {  	_ = 	snop  }
0x3b: {  	_ = 	snop  }
0x3c: {  	p2 =	seq.s32 s10, $0x1;
	s10 =	sld [smem:$0x3FBA]  }
0x3d: {  	_ =	shalt  }
0x3e: {  	_ =	shalt  }
0x3f: {  	_ =	shalt  }
0x40: {  	_ =	shalt  }
0x41: {  	_ =	shalt  }
0x42: {  	_ =	shalt  }
0x43: {  	_ =	shalt  }
0x44: {  	_ =	shalt  }
0x45: {  	_ =	shalt  }
0x46: {  	_ =	shalt  }
0x47: {  	_ =	shalt  }
0x48: {  	_ =	shalt  }
0x49: {  	_ =	shalt  }
0x4a: {  	_ =	shalt  }
0x4b: {  	_ =	shalt  }
0x4c: {  	_ =	shalt  }
0x4d: {  	_ =	shalt  }
0x4e: {  	_ =	shalt  }
0x4f: {  	_ =	shalt  }
0x50: {  	_ =	shalt  }
0x51: {  	_ =	shalt  }
0x52: {  	_ =	shalt  }
0x53: {  	_ =	shalt  }
0x54: {  	_ =	shalt  }
0x55: {  	_ =	shalt  }
0x56: {  	_ =	shalt  }
0x57: {  	_ =	shalt  }
0x58: {  	_ =	shalt  }
0x59: {  	_ =	shalt  }
0x5a: {  	_ =	shalt  }
0x5b: {  	_ =	shalt  }
0x5c: {  	_ =	shalt  }
0x5d: {  	_ =	shalt  }
0x5e: {  	_ =	shalt  }
0x5f: {  	_ =	shalt  }
0x60: {  	_ =	shalt  }
0x61: {  	_ =	shalt  }
0x62: {  	_ =	shalt  }
0x63: {  	_ =	shalt  }
0x64: {  	_ =	shalt  }
0x65: {  	_ =	shalt  }
0x66: {  	_ =	shalt  }
0x67: {  	_ =	shalt  }
0x68: {  	_ =	shalt  }
0x69: {  	_ =	shalt  }
0x6a: {  	_ =	shalt  }
0x6b: {  	_ =	shalt  }
0x6c: {  	_ =	shalt  }
0x6d: {  	_ =	shalt  }
0x6e: {  	_ =	shalt  }
0x6f: {  	_ =	shalt  }
0x70: {  	_ =	shalt  }
0x71: {  	_ =	shalt  }
0x72: {  	_ =	shalt  }
0x73: {  	_ =	shalt  }
0x74: {  	_ =	shalt  }
0x75: {  	_ =	shalt  }
0x76: {  	_ =	shalt  }
0x77: {  	_ =	shalt  }
0x78: {  	_ =	shalt  }
0x79: {  	_ =	shalt  }
0x7a: {  	_ =	shalt  }
0x7b: {  	_ =	shalt  }
0x7c: {  	_ =	shalt  }
0x7d: {  	_ =	shalt  }
0x7e: {  	_ =	shalt  }
0x7f: {  	_ =	shalt  }
0x80: {  	_ =	shalt  }
0x81: {  	_ =	shalt  }
0x82: {  	_ =	shalt  }
0x83: {  	_ =	shalt  }
0x84: {  	_ =	shalt  }
0x85: {  	_ =	shalt  }
0x86: {  	_ =	shalt  }
0x87: {  	_ =	shalt  }
.Lfunc_end0:
.L_simem_size_0:
called_computation_lowered:
.L_overlay_start_0:
0x88: {  	s2 =	sld [smem:$0x3FD9]  }
0x89: {  	s3 =	sld [smem:$0x3FFE];
	_ =	sdelay $0x1  }
0x8a: {  	s1 =	srdreg.scid  }
0x8b: {  	s0 =	sand.u32 $0x1, s1  }
0x8c: {  	s17 =	sshll.u32 s0, $0xA;
	s2 =	sadd.s32 s3, s2  }
0x8d: {  	s2 =	sadd.s32 s2, s17  }
0x8e: {  	[smem:$0x3FC6] =	sst s2  }
0x8f: {  	_ = 	snop  }
0x90: {  	s2 =	sld [smem:$0x3FC9]  }
0x91: {  	s18 =	sld [smem:$0x3FC8];
	(tm) =	ssettm $0x1  }
0x92: {  	s4 =	sld [smem:$0x3FFB];
	_ =	sdelay $0x3  }
0x93: {  	_ =	strace s4  }
0x94: {  	s4 =	sld [smem:$0x3FFC];
	_ =	sdelay $0x3  }
0x95: {  	_ =	strace s4  }
0x96: {  	s4 =	sld [smem:$0x3FFD];
	_ =	sdelay $0x3  }
0x97: {  	_ =	strace s4  }
0x98: {  	_ =	strace $0x8FFFFFFF  }
0x99: {  	s19 =	sld [smem:$0x3FDB];
	_ =	sdelay $0x1  }
0x9a: {  	s5 =	simm.s32 $_scs_section_size  }
0x9b: {  	s6 =	simm.s32 $_size__tile_overlayer_lowered;
	s7 =	simm.s32 $_tile_overlayer_lowered  }
0x9c: {  	s22 =	simm.s32 $0x1BFF;
	s21 =	sshll.u32 s7, $0x1;
	s4 =	sadd.s32 s5, s19  }
0x9d: {  	s8 =	simm.s32 $0x0;
	s20 =	sshll.u32 s6, $0x1;
	s6 =	sadd.s32 s21, s4  }
0x9e: {  	[timem:s8], [sflag:s22] =	dma.local [hbm:s6], s20  }
0x9f: {  	_ =	swait.ge [sflag:s22], s20  }
0xa0: {  	s5 =	ssub.s32 $0x0, s20;
	[sflag:s22] =	ssyncset.done $0x0  }
0xa1: {  	[sflag:s22] =	ssyncadd.s32 s5;
	_ =	sdelay $0x1  }
0xa2: {  	s23 =	simm.s32 $0x1B8B  }
0xa3: {  	_ =	swait.ge [sflag:s23], $0x1  }
0xa4: {  	[sflag:s23] =	ssyncset.done $0x0  }
0xa5: {  	s25 =	simm.s32 $0x1B8E;
	s24 =	sld [smem:$0x3FFE];
	[sflag:s23] =	ssyncadd.s32 $0xFFFFFFFF  }
0xa6: {  	s26 =	simm.s32 $execute0_lowered;
	[smem:$0x3FD2] =	sst s25  }
0xa7: {  	s6 =	sshll.u32 s26, $0x1;
	_ =	strace $0x80000046;
	[dreg:$0x1] =	wrdreg $0xFFFFFFFF  }
0xa8: {  	s28 =	simm.s32 $_size_execute0_lowered;
	s4 =	sadd.s32 s4, s6;
	[dreg:$0x0] =	wrdreg $0x0  }
0xa9: {  	s6 =	sshll.u32 s28, $0x1;
	[dreg:$0x2] =	wrdreg s4  }
0xaa: {  	[dreg:$0x3] =	wrdreg s6  }
0xab: {  	[dreg:$0x4] =	wrdreg $0xC0  }
0xac: {  	_ =	task [dreg:s8], $0x5FFFF  }
0xad: {  	[dreg:$0x1] =	wrdreg $0xFFFFFFFF  }
0xae: {  	[dreg:$0x0] =	wrdreg $0x60  }
0xaf: {  	[dreg:$0x2] =	wrdreg s2  }
0xb0: {  	[dreg:$0x3] =	wrdreg s18  }
0xb1: {  	[dreg:$0x4] =	wrdreg s24  }
0xb2: {  	[dreg:$0x5] =	wrdreg $0x9  }
0xb3: {  	_ =	task.clear_ibuf [dreg:s8], $0x6FFFF;
	_ =	strace $0x90000046  }
0xb4: {  	s29 =	simm.s32 $0x9;
	_ =	strace $0x80000048  }
0xb5: {  	_ =	swait.ge [sflag:s29], $0x1  }
0xb6: {  	[sflag:s29] =	ssyncadd.s32 $0xFFFFFFFF  }
0xb7: {  	_ =	strace $0x90000048  }
0xb8: {  	_ =	sfence  }
0xb9: {  	s30 =	sld [smem:$0x0];
	_ =	sdelay $0x2  }
0xba: {  	s31 =	sshll.u32 s1, $0xD;
	s1 =	sshrl.u32 s1, $0x2  }
0xbb: {  	s3 =	sand.u32 $0x4000, s31;
	s1 =	sadd.s32 s1, s30  }
0xbc: {  	s0 =	sor.u32 s3, s0;
	s1 =	sshll.u32 s1, $0x11  }
0xbd: {  	s0 =	sor.u32 s1, s0  }
0xbe: {  	s0 =	sadd.s32 $0x8F2B, s0  }
0xbf: {  	[sflag:s0] =	ssyncadd.remote.s32 $0x1  }
0xc0: {  	_ =	sfence.sel $0xFFFF  }
0xc1: {  	[dreg:$0x0] =	wrdreg $0xFFFFFFFF;
	(pc) =	sbr.abs _section_cstart, $3  }
0xc2: {  	[dreg:$0x1] =	wrdreg $0xFFFFFFFF  }
0xc3: {  	_ =	task.clear_ibuf [dreg:s8], $0x2FFFF;
	_ =	strace $0x9FFFFFFF  }
0xc4: {  	(tm) =	ssettm $0x7FFFFFFF  }
0xc5: {  	_ =	shalt  }
tec
execute0_lowered:
.L_overlay_start_1:
0x0: {  	(tag) =	ssettag $0x1  }
0x1: {  	s0 =	srdreg.scid;
	s1 =	rddreg [dreg:$0x0]  }
0x2: {  	s4 =	stileid.u32;
	s3 =	rddreg [dreg:$0x1]  }
0x3: {  	s6 =	rddreg [dreg:$0x2];
	s15 =	simm.s32 $0x4000;
	s16 =	simm.s32 $0x2000  }
0x4: {  	s17 =	simm.s32 $0x6000;
	s18 =	simm.s32 $0x1;
	s19 =	simm.s32 $0x2  }
0x5: {  	s20 =	simm.s32 $0x8000;
	s21 =	simm.s32 $0xC480;
	s22 =	simm.s32 $0x3  }
0x6: {  	s23 =	simm.s32 $0x4;
	s29 =	simm.s32 $0x0;
	s0 =	sand.u32 $0x1, s0  }
0x7: {  	s2 =	sshll.u32 s4, $0x1;
	s5 =	sshrl.u32 s4, $0x2;
	s4 =	simm.s32 $0x0  }
0x8: {  	s2 =	sor.u32 s0, s2;
	s8 =	smul.u32 $0x22400, s5;
	[smem:$0x7FF] =	sst s4  }
0x9: {  	s5 =	sshll.u32 s5, $0xA;
	s0 =	ssub.s32 $0x2, s0;
	s7 =	sshll.u32 s2, $0x7  }
0xa: {  	_ =	strace $0x80000047;
	s25 =	sshrl.u32 s0, $0x1;
	s26 =	sshll.u32 s2, $0xE  }
0xb: {  	s2 =	sshll.u32 s2, $0x11;
	s7 =	sand.u32 $0x380, s7;
	s0 =	ssub.s32 s0, s25  }
0xc: {  	s28 =	sor.u32 $0x400, s26;
	s30 =	sadd.s32 s1, s26;
	s9 =	sor.u32 $0x4000, s2  }
0xd: {  	s10 =	sor.u32 $0x6000, s2;
	s8 =	sor.u32 s8, s7;
	s5 =	sor.u32 s5, s7  }
0xe: {  	[dreg:$0x4] =	wrdreg s30;
	s7 =	sadd.s32 s3, s26;
	s31 =	sadd.s32 s1, s28  }
0xf: {  	s14 =	smax.u32 s0, $0x1;
	s26 =	simm.s32 $0x5;
	[dreg:$0x5] =	wrdreg s7  }
0x10: {  	s8 =	sshrl.u32 s8, $0x3;
	s5 =	sshrl.u32 s5, $0x3;
	[dreg:$0x6] =	wrdreg s31  }
0x11: {  	v2 =	vlaneseq.u32;
	s12 =	sadd.s32 s8, s6;
	s5 =	sadd.s32 s5, s6;
	s8 =	sadd.s32 s3, s28  }
0x12: {  	v0 =	vimm.f32 $0.0e+00;
	v1 =	vimm.f32 $1.000000000e+00;
	v2 =	vmul.u32 $0x441, v2;
	s11 =	sadd.s32 $0xC00, s12;
	s12 =	sadd.s32 $0x11E00, s12;
	s13 =	sadd.s32 $0x23000, s5  }
.LBB2_1:
0x13: {  	s0 =	rddreg [dreg:$0x4]  }
0x14: {  	[tilespmem:s4], [sflag:$0x1] =	stream.linear.gather [hbm4b:s0+s4], $0x2000, $0x38;
	[tilespmem:$0x10980] =	vst v63  }
0x15: {  	s30 =	rddreg [dreg:$0x5]  }
0x16: {  	[tilespmem:s15], [sflag:$0x2] =	stream.linear.gather [hbm4b:s30+s4], $0x2000, $0x38;
	[tilespmem:$0x10980] =	vst v63  }
0x17: {  	s31 =	rddreg [dreg:$0x6]  }
0x18: {  	[tilespmem:s16], [sflag:$0x3] =	stream.linear.gather [hbm4b:s31+s4], $0x2000, $0x38;
	[tilespmem:$0x10980] =	vst v63  }
0x19: {  	s0 =	simm.s32 $0x0  }
0x1a: {  	[tilespmem:s17], [sflag:$0x4] =	stream.linear.gather [hbm4b:s8+s4], $0x2000, $0x38;
	[tilespmem:$0x10980] =	vst v63  }
.LBB2_2:
0x1b: {  	p0 =	sne.s32 s0, $0x11000  }
.Ltmp0:
0x1c: {  	_ = 	snop;
	(pc) =	sbr.rel @p0 .LBB2_2-.Ltmp0, $4  }
0x1d: {  	_ = 	snop  }
0x1e: {  	s2 =	sshra.s32 s0, $0x2;
	v3 =	vimm.f32 $0.0e+00  }
0x1f: {  	[tilespmem:s2+$0x8000] =	vst v3  }
0x20: {  	s0 =	sadd.s32 $0x40, s0;
	[tilespmem:s2+$0xC480] =	vst v3  }
0x21: {  	s5 =	simm.s32 $0x0;
	s31 =	simm.s32 $0x0  }
.LBB2_4:
0x22: {  	_ =	swait.ge [sflag:s18], $0x2000  }
0x23: {  	[sflag:s18] =	ssyncset.done $0x0  }
0x24: {  	[sflag:s18] =	ssyncadd.s32 $0xFFFFE000  }
0x25: {  	_ =	swait.ge [sflag:s19], $0x2000  }
0x26: {  	[sflag:s19] =	ssyncset.done $0x0  }
0x27: {  	s0 =	simm.s32 $0x40;
	[sflag:s19] =	ssyncadd.s32 $0xFFFFE000  }
0x28: {  	s28 =	simm.s32 $0x4040;
	v4 =	vld [tilespmem:s0+$0xFFFFFFC0]  }
0x29: {  	v5 =	vld [tilespmem:s28+$0xFFFFFFC0]  }
0x2a: {  	v6 =	vld [tilespmem:s0+$0xFFFFFFD0]  }
0x2b: {  	v7 =	vld [tilespmem:s28+$0xFFFFFFD0]  }
0x2c: {  	v8 =	vld [tilespmem:s0+$0xFFFFFFE0]  }
0x2d: {  	v9 =	vld [tilespmem:s28+$0xFFFFFFE0]  }
0x2e: {  	v10 =	vld [tilespmem:s0+$0xFFFFFFF0]  }
0x2f: {  	v11 =	vld [tilespmem:s28+$0xFFFFFFF0]  }
0x30: {  	v16 =	vld [tilespmem:s0+$0x30]  }
0x31: {  	v23 =	vld [tilespmem:s28+$0x30];
	_ =	sdelay $0x2  }
0x32: {  	vm0 =	vgt.f32 v5, $0.0e+00;
	v17 =	vsub.f32 v4, v5;
	vm1 =	vgt.f32 v7, $0.0e+00  }
0x33: {  	v18 =	vsub.f32 v6, v7;
	vm2 =	vgt.f32 v9, $0.0e+00;
	v42 =	vsub.f32 v8, v9  }
0x34: {  	v12 =	vld [tilespmem:s0+$0x0];
	v8 =	vsub.f32 v10, v11;
	v16 =	vsub.f32 v16, v23;
	v4 =	vsel vm0, $0x3F800000, v0  }
0x35: {  	v7 =	vld [tilespmem:s28+$0x0];
	v5 =	vsel vm1, $0x3F800000, v0;
	v6 =	vsel vm2, $0x3F800000, v0;
	v3 =	vadd.f32 v4, v3  }
0x36: {  	v14 =	vld [tilespmem:s0+$0x20];
	v4 =	vand.u32 $0x7FFFFFFF, v17;
	v19 =	vmul.f32 $5.000000000e-01, v17;
	v44 =	vmul.f32 $5.000000000e-01, v18  }
0x37: {  	v9 =	vld [tilespmem:s28+$0x10];
	v45 =	vmul.f32 $5.000000000e-01, v42;
	v20 =	vsel vm0, $0x0, v4;
	vm0 =	vgt.f32 v11, $0.0e+00  }
0x38: {  	v11 =	vld [tilespmem:s28+$0x20];
	v3 =	vadd.f32 v5, v3;
	v5 =	vand.u32 $0x7FFFFFFF, v18;
	v10 =	vsel vm0, $0x3F800000, v0  }
0x39: {  	vm7 =	veq.f32 v20, $0.0e+00;
	v18 =	vmul.f32 v44, v18;
	v21 =	vsel vm1, $0x0, v5  }
0x3a: {  	vm1 =	vgt.f32 v7, $0.0e+00;
	v3 =	vadd.f32 v6, v3;
	v6 =	vand.u32 $0x7FFFFFFF, v42  }
0x3b: {  	v13 =	vld [tilespmem:s0+$0x10];
	v28 =	vmin.f32 v21, $1.598437500e+01;
	vm4 =	veq.f32 v21, $0.0e+00;
	v22 =	vsel vm2, $0x0, v6  }
0x3c: {  	vm2 =	vgt.f32 v9, $0.0e+00;
	v3 =	vadd.f32 v10, v3;
	v10 =	vsub.f32 v12, v7  }
0x3d: {  	v7 =	vand.u32 $0x7FFFFFFF, v8;
	v12 =	vsel vm1, $0x3F800000, v0;
	v15 =	vsub.f32 v14, v11  }
0x3e: {  	v14 =	vand.u32 $0x7FFFFFFF, v16;
	v30 =	vmin.f32 v22, $1.598437500e+01;
	vm5 =	veq.f32 v22, $0.0e+00  }
0x3f: {  	v24 =	vsel vm0, $0x0, v7;
	vm0 =	vgt.f32 v11, $0.0e+00;
	v21 =	vmul.f32 $6.400000000e+01, v30  }
0x40: {  	v3 =	vadd.f32 v12, v3;
	v12 =	vsub.f32 v13, v9;
	v9 =	vand.u32 $0x7FFFFFFF, v10  }
0x41: {  	v13 =	vsel vm2, $0x3F800000, v0;
	v31 =	vmin.f32 v24, $1.598437500e+01;
	v25 =	vsel vm1, $0x0, v9  }
0x42: {  	vm1 =	vgt.f32 v23, $0.0e+00;
	v3 =	vadd.f32 v13, v3;
	v11 =	vand.u32 $0x7FFFFFFF, v12  }
0x43: {  	v13 =	vsel vm0, $0x3F800000, v0;
	v26 =	vsel vm1, $0x3F800000, v0;
	v29 =	vsel vm1, $0x0, v14  }
0x44: {  	v32 =	vmin.f32 v25, $1.598437500e+01;
	vm6 =	veq.f32 v25, $0.0e+00;
	v25 =	vtrunc.f32 v21  }
0x45: {  	v21 =	vadd.f32 $-5.000000000e-01, v4;
	v23 =	vsel vm2, $0x0, v11;
	v35 =	vmin.f32 v29, $1.598437500e+01  }
0x46: {  	v22 =	vmul.f32 $6.400000000e+01, v32;
	vm2 =	veq.f32 v24, $0.0e+00;
	v32 =	vmul.f32 $5.000000000e-01, v8  }
0x47: {  	v3 =	vadd.f32 v13, v3;
	v13 =	vand.u32 $0x7FFFFFFF, v15;
	v33 =	vmin.f32 v23, $1.598437500e+01  }
0x48: {  	v38 =	vcvt.f32.s32 v25;
	v27 =	vsel vm0, $0x0, v13;
	v30 =	vmul.f32 $6.400000000e+01, v33  }
0x49: {  	v62 =	vtrunc.f32 v22;
	vm0 =	veq.f32 v29, $0.0e+00;
	v29 =	vmul.f32 $5.000000000e-01, v15  }
0x4a: {  	v33 =	vmul.f32 v19, v17;
	v17 =	vmul.f32 v45, v42;
	v3 =	vadd.f32 v26, v3  }
0x4b: {  	v26 =	vmin.f32 v20, $1.598437500e+01;
	v20 =	vmul.f32 $6.400000000e+01, v28;
	v28 =	vmul.f32 $6.400000000e+01, v31  }
0x4c: {  	v34 =	vmin.f32 v27, $1.598437500e+01;
	v31 =	vmul.f32 $6.400000000e+01, v35;
	v37 =	vcvt.f32.s32 v62  }
0x4d: {  	s24 =	simm.s32 $0x0;
	v25 =	vadd.f32 $-5.000000000e-01, v9;
	v26 =	vmul.f32 $6.400000000e+01, v26;
	v24 =	vmul.f32 $6.400000000e+01, v34  }
0x4e: {  	s25 =	sand.u32 $0x78, s24;
	vm3 =	veq.f32 v23, $0.0e+00;
	v63 =	vtrunc.f32 v30;
	v30 =	vmul.f32 $5.000000000e-01, v10  }
0x4f: {  	p0 =	seq.s32 s5, $0x0;
	p1 =	sne.s32 s25, $0x0;
	v23 =	vadd.f32 $-5.000000000e-01, v6;
	v20 =	vtrunc.f32 v20;
	v61 =	vtrunc.f32 v28  }
0x50: {  	p0 =	por !p1, !p0;
	v22 =	vadd.f32 $-5.000000000e-01, v5;
	v43 =	vtrunc.f32 v31;
	v31 =	vmul.f32 $5.000000000e-01, v12  }
0x51: {  	s2 =	simm.s32 $0x1;
	p0 =	por !p0, !p0;
	vm1 =	veq.f32 v27, $0.0e+00;
	v28 =	vmul.f32 $5.000000000e-01, v16;
	v36 =	vcvt.f32.s32 v63  }
0x52: {  	s2 =	simm.s32 @!p0 $0x0;
	s0 =	sshrl.u32 s5, $0xB;
	v27 =	vadd.f32 $-5.000000000e-01, v11;
	v26 =	vtrunc.f32 v26;
	v41 =	vtrunc.f32 v24  }
0x53: {  	s2 =	ssub.s32 s0, s2;
	v24 =	vadd.f32 $-5.000000000e-01, v7;
	v40 =	vcvt.f32.s32 v20;
	v46 =	vcvt.f32.s32 v26  }
0x54: {  	s30 =	smov.u32 s5;
	s6 =	sadd.s32 $0x400, s2;
	v39 =	vcvt.f32.s32 v61;
	v20 =	vadd.f32 $-5.000000000e-01, v14;
	v35 =	vcvt.f32.s32 v43  }
0x55: {  	s25 =	simm.s32 $0xC0;
	s2 =	sshll.u32 s31, $0xE;
	v26 =	vadd.f32 $-5.000000000e-01, v13;
	v34 =	vcvt.f32.s32 v41;
	v41 =	vsel vm7, s6, v46;
	s6 =	sor.u32 $0x400, s0  }
.LBB2_5:
0x56: {  	v19 =	vld [tilespmem:s25+$0xFFFFFFC0];
	v40 =	vsel vm4, s6, v40;
	v8 =	vmul.f32 v32, v8;
	v10 =	vmul.f32 v30, v10  }
0x57: {  	v32 =	vsel vm5, s6, v38;
	v12 =	vmul.f32 v31, v12;
	v15 =	vmul.f32 v29, v15;
	v30 =	vld [tilespmem:s25+$0xFFFFFFD0]  }
0x58: {  	v31 =	vsel vm2, s6, v39;
	v37 =	vsel vm6, s6, v37;
	v16 =	vmul.f32 v28, v16;
	v29 =	vld [tilespmem:s25+$0xFFFFFFE0]  }
0x59: {  	v36 =	vsel vm3, s6, v36;
	v34 =	vsel vm1, s6, v34;
	v35 =	vsel vm0, s6, v35;
	v28 =	vld [tilespmem:s25+$0xFFFFFFF0]  }
0x5a: {  	vm0 =	vlt.f32 v4, $1.000000000e+00;
	vm1 =	vlt.f32 v5, $1.000000000e+00;
	vm2 =	vlt.f32 v6, $1.000000000e+00;
	v38 =	vld [tilespmem:s25+$0x0]  }
0x5b: {  	vm3 =	vlt.f32 v7, $1.000000000e+00;
	vm4 =	vlt.f32 v9, $1.000000000e+00;
	vm5 =	vlt.f32 v11, $1.000000000e+00;
	s28 =	sadd.s32 $0x80, s28;
	v39 =	vld [tilespmem:s25+$0x10]  }
0x5c: {  	v5 =	vadd.s32 v2, v41;
	vm6 =	vlt.f32 v13, $1.000000000e+00;
	vm7 =	vlt.f32 v14, $1.000000000e+00;
	v4 =	vld [tilespmem:s28+$0xFFFFFFC0]  }
0x5d: {  	v6 =	vadd.s32 v2, v40;
	v9 =	vadd.s32 v2, v32;
	v13 =	vadd.s32 v2, v31;
	v11 =	vld [tilespmem:s25+$0x20]  }
0x5e: {  	v14 =	vadd.s32 v2, v37;
	v31 =	vadd.s32 v2, v36;
	v32 =	vadd.s32 v2, v34;
	v7 =	vld [tilespmem:s28+$0xFFFFFFD0]  }
0x5f: {  	v21 =	vsel vm0, v33, v21;
	v22 =	vsel vm1, v18, v22;
	v33 =	vadd.s32 v2, v35;
	v34 =	vld [tilespmem:s25+$0x30]  }
0x60: {  	v23 =	vsel vm2, v17, v23;
	v24 =	vsel vm3, v8, v24;
	v25 =	vsel vm4, v10, v25;
	v35 =	vld [tilespmem:s28+$0xFFFFFFE0]  }
0x61: {  	v27 =	vsel vm5, v12, v27;
	vm0 =	vgt.f32 v4, $0.0e+00;
	v17 =	vsub.f32 v19, v4;
	[tilespmem:v5+s20+$0x0] =	vst.idx.add.f32.msk $0xffff, v1  }
0x62: {  	v26 =	vsel vm6, v15, v26;
	v36 =	vsel vm7, v16, v20;
	v4 =	vsel vm0, $0x3F800000, v0;
	v8 =	vld [tilespmem:s28+$0xFFFFFFF0]  }
0x63: {  	v3 =	vadd.f32 v4, v3;
	vm1 =	vgt.f32 v7, $0.0e+00;
	v18 =	vsub.f32 v30, v7;
	[tilespmem:v5+s21+$0x0] =	vst.idx.add.f32.msk $0xffff, v21  }
0x64: {  	v4 =	vand.u32 $0x7FFFFFFF, v17;
	v20 =	vmul.f32 $5.000000000e-01, v17;
	v5 =	vsel vm1, $0x3F800000, v0;
	v7 =	vld [tilespmem:s28+$0x0]  }
0x65: {  	v3 =	vadd.f32 v5, v3;
	vm2 =	vgt.f32 v35, $0.0e+00;
	v19 =	vsub.f32 v29, v35;
	[tilespmem:v6+s20+$0x0] =	vst.idx.add.f32.msk $0xffff, v1  }
0x66: {  	v21 =	vsel vm0, $0x0, v4;
	v5 =	vand.u32 $0x7FFFFFFF, v18;
	v10 =	vsel vm2, $0x3F800000, v0;
	v12 =	vld [tilespmem:s28+$0x10]  }
0x67: {  	v3 =	vadd.f32 v10, v3;
	vm0 =	vgt.f32 v8, $0.0e+00;
	v8 =	vsub.f32 v28, v8;
	[tilespmem:v6+s21+$0x0] =	vst.idx.add.f32.msk $0xffff, v22  }
0x68: {  	v22 =	vsel vm1, $0x0, v5;
	v6 =	vand.u32 $0x7FFFFFFF, v19;
	v10 =	vsel vm0, $0x3F800000, v0;
	v15 =	vld [tilespmem:s28+$0x20]  }
0x69: {  	v3 =	vadd.f32 v10, v3;
	vm1 =	vgt.f32 v7, $0.0e+00;
	v10 =	vsub.f32 v38, v7;
	[tilespmem:v9+s20+$0x0] =	vst.idx.add.f32.msk $0xffff, v1  }
0x6a: {  	v28 =	vsel vm2, $0x0, v6;
	v7 =	vand.u32 $0x7FFFFFFF, v8;
	v16 =	vsel vm1, $0x3F800000, v0;
	v29 =	vld [tilespmem:s28+$0x30]  }
0x6b: {  	v3 =	vadd.f32 v16, v3;
	vm2 =	vgt.f32 v12, $0.0e+00;
	v12 =	vsub.f32 v39, v12;
	[tilespmem:v9+s21+$0x0] =	vst.idx.add.f32.msk $0xffff, v23  }
0x6c: {  	v23 =	vsel vm0, $0x0, v7;
	v9 =	vand.u32 $0x7FFFFFFF, v10;
	v16 =	vsel vm2, $0x3F800000, v0;
	[tilespmem:v13+s20+$0x0] =	vst.idx.add.f32.msk $0xffff, v1  }
0x6d: {  	v3 =	vadd.f32 v16, v3;
	vm0 =	vgt.f32 v15, $0.0e+00;
	v15 =	vsub.f32 v11, v15;
	[tilespmem:v13+s21+$0x0] =	vst.idx.add.f32.msk $0xffff, v24  }
0x6e: {  	v24 =	vsel vm1, $0x0, v9;
	v11 =	vand.u32 $0x7FFFFFFF, v12;
	v13 =	vsel vm0, $0x3F800000, v0;
	[tilespmem:v14+s20+$0x0] =	vst.idx.add.f32.msk $0xffff, v1  }
0x6f: {  	v3 =	vadd.f32 v13, v3;
	vm1 =	vgt.f32 v29, $0.0e+00;
	v16 =	vsub.f32 v34, v29;
	[tilespmem:v14+s21+$0x0] =	vst.idx.add.f32.msk $0xffff, v25  }
0x70: {  	v25 =	vsel vm2, $0x0, v11;
	v13 =	vand.u32 $0x7FFFFFFF, v15;
	v29 =	vsel vm1, $0x3F800000, v0;
	[tilespmem:v31+s20+$0x0] =	vst.idx.add.f32.msk $0xffff, v1  }
0x71: {  	v30 =	vsel vm0, $0x0, v13;
	v14 =	vand.u32 $0x7FFFFFFF, v16;
	v3 =	vadd.f32 v29, v3;
	[tilespmem:v31+s21+$0x0] =	vst.idx.add.f32.msk $0xffff, v27  }
0x72: {  	v27 =	vmin.f32 v21, $1.598437500e+01;
	v29 =	vmin.f32 v22, $1.598437500e+01;
	v31 =	vsel vm1, $0x0, v14;
	[tilespmem:v32+s20+$0x0] =	vst.idx.add.f32.msk $0xffff, v1  }
0x73: {  	v35 =	vmin.f32 v23, $1.598437500e+01;
	v37 =	vmin.f32 v24, $1.598437500e+01;
	v34 =	vmin.f32 v28, $1.598437500e+01;
	[tilespmem:v32+s21+$0x0] =	vst.idx.add.f32.msk $0xffff, v26  }
0x74: {  	v26 =	vmin.f32 v25, $1.598437500e+01;
	v32 =	vmin.f32 v30, $1.598437500e+01;
	v38 =	vmin.f32 v31, $1.598437500e+01;
	[tilespmem:v33+s20+$0x0] =	vst.idx.add.f32.msk $0xffff, v1  }
0x75: {  	vm7 =	veq.f32 v21, $0.0e+00;
	v27 =	vmul.f32 $6.400000000e+01, v27;
	v21 =	vmul.f32 $6.400000000e+01, v29;
	[tilespmem:v33+s21+$0x0] =	vst.idx.add.f32.msk $0xffff, v36  }
0x76: {  	vm4 =	veq.f32 v22, $0.0e+00;
	v22 =	vmul.f32 $6.400000000e+01, v34;
	v29 =	vmul.f32 $6.400000000e+01, v35  }
0x77: {  	vm5 =	veq.f32 v28, $0.0e+00;
	v28 =	vmul.f32 $6.400000000e+01, v37;
	v26 =	vmul.f32 $6.400000000e+01, v26  }
0x78: {  	vm2 =	veq.f32 v23, $0.0e+00;
	v23 =	vmul.f32 $6.400000000e+01, v32;
	v32 =	vmul.f32 $6.400000000e+01, v38  }
0x79: {  	vm6 =	veq.f32 v24, $0.0e+00;
	v27 =	vtrunc.f32 v27;
	v33 =	vtrunc.f32 v21  }
0x7a: {  	vm3 =	veq.f32 v25, $0.0e+00;
	v34 =	vtrunc.f32 v22;
	v35 =	vtrunc.f32 v29  }
0x7b: {  	vm1 =	veq.f32 v30, $0.0e+00;
	v36 =	vtrunc.f32 v28;
	v26 =	vtrunc.f32 v26  }
0x7c: {  	vm0 =	veq.f32 v31, $0.0e+00;
	v41 =	vtrunc.f32 v23;
	v42 =	vtrunc.f32 v32  }
0x7d: {  	s24 =	sadd.s32 $0x8, s24;
	v43 =	vmul.f32 $5.000000000e-01, v18;
	v44 =	vmul.f32 $5.000000000e-01, v19;
	v21 =	vadd.f32 $-5.000000000e-01, v4  }
0x7e: {  	s30 =	sadd.s32 $0x80, s30;
	s6 =	sand.u32 $0x78, s24;
	p0 =	slt.u32 s24, $0x1F8;
	v22 =	vadd.f32 $-5.000000000e-01, v5;
	v30 =	vmul.f32 $5.000000000e-01, v10;
	v32 =	vmul.f32 $5.000000000e-01, v8  }
0x7f: {  	p1 =	seq.s32 s30, $0x0;
	p2 =	sne.s32 s6, $0x0;
	v31 =	vmul.f32 $5.000000000e-01, v12;
	v29 =	vmul.f32 $5.000000000e-01, v15;
	v23 =	vadd.f32 $-5.000000000e-01, v6  }
0x80: {  	p1 =	por !p2, !p1;
	v24 =	vadd.f32 $-5.000000000e-01, v7;
	v45 =	vcvt.f32.s32 v27;
	v28 =	vmul.f32 $5.000000000e-01, v16  }
.Ltmp1:
0x81: {  	s7 =	simm.s32 $0x1;
	p1 =	por !p1, !p1;
	v25 =	vadd.f32 $-5.000000000e-01, v9;
	v38 =	vcvt.f32.s32 v34;
	v40 =	vcvt.f32.s32 v33;
	(pc) =	sbr.rel @p0 .LBB2_5-.Ltmp1, $4  }
0x82: {  	s6 =	sshrl.u32 s30, $0xB;
	s7 =	simm.s32 @!p1 $0x0;
	v39 =	vcvt.f32.s32 v35;
	v27 =	vadd.f32 $-5.000000000e-01, v11;
	v37 =	vcvt.f32.s32 v36  }
0x83: {  	s7 =	ssub.s32 s6, s7;
	v36 =	vcvt.f32.s32 v26;
	v26 =	vadd.f32 $-5.000000000e-01, v13;
	v34 =	vcvt.f32.s32 v41  }
0x84: {  	s7 =	sadd.s32 $0x400, s7;
	v33 =	vmul.f32 v20, v17;
	v20 =	vadd.f32 $-5.000000000e-01, v14;
	v35 =	vcvt.f32.s32 v42  }
0x85: {  	s6 =	sor.u32 $0x400, s6;
	s25 =	sadd.s32 $0x80, s25;
	v18 =	vmul.f32 v43, v18;
	v17 =	vmul.f32 v44, v19;
	v41 =	vsel vm7, s7, v45  }
0x86: {  	v19 =	vadd.s32 v2, v41  }
0x87: {  	v40 =	vsel vm4, s6, v40  }
0x88: {  	v38 =	vsel vm5, s6, v38;
	v40 =	vadd.s32 v2, v40  }
0x89: {  	vm4 =	vlt.f32 v4, $1.000000000e+00;
	v4 =	vadd.s32 v2, v38;
	_ =	sdelay $0x1  }
0x8a: {  	v55 =	vsel vm2, s6, v39;
	v21 =	vsel vm4, v33, v21;
	[tilespmem:v19+s20+$0x0] =	vst.idx.add.f32.msk $0xffff, v1  }
0x8b: {  	vm2 =	vlt.f32 v5, $1.000000000e+00;
	v5 =	vadd.s32 v2, v55;
	[tilespmem:v19+s21+$0x0] =	vst.idx.add.f32.msk $0xffff, v21  }
0x8c: {  	v8 =	vmul.f32 v32, v8;
	v19 =	vsel vm6, s6, v37;
	[tilespmem:v40+s20+$0x0] =	vst.idx.add.f32.msk $0xffff, v1  }
0x8d: {  	v18 =	vsel vm2, v18, v22;
	vm2 =	vlt.f32 v6, $1.000000000e+00;
	[tilespmem:v4+s20+$0x0] =	vst.idx.add.f32.msk $0xffff, v1;
	v6 =	vadd.s32 v2, v19  }
0x8e: {  	v17 =	vsel vm2, v17, v23;
	vm2 =	vlt.f32 v7, $1.000000000e+00;
	[tilespmem:v40+s21+$0x0] =	vst.idx.add.f32.msk $0xffff, v18;
	v18 =	vsel vm3, s6, v36  }
0x8f: {  	[tilespmem:v4+s21+$0x0] =	vst.idx.add.f32.msk $0xffff, v17;
	v4 =	vmul.f32 v30, v10;
	v10 =	vsel vm1, s6, v34;
	v7 =	vadd.s32 v2, v18  }
0x90: {  	v8 =	vsel vm2, v8, v24;
	[tilespmem:v5+s20+$0x0] =	vst.idx.add.f32.msk $0xffff, v1;
	vm1 =	vlt.f32 v9, $1.000000000e+00;
	v9 =	vadd.s32 v2, v10  }
0x91: {  	[tilespmem:v5+s21+$0x0] =	vst.idx.add.f32.msk $0xffff, v8;
	v8 =	vsel vm0, s6, v35  }
0x92: {  	v8 =	vadd.s32 v2, v8;
	v4 =	vsel vm1, v4, v25;
	[tilespmem:v6+s20+$0x0] =	vst.idx.add.f32.msk $0xffff, v1  }
0x93: {  	v5 =	vmul.f32 v31, v12;
	[tilespmem:v6+s21+$0x0] =	vst.idx.add.f32.msk $0xffff, v4  }
0x94: {  	vm0 =	vlt.f32 v11, $1.000000000e+00;
	[tilespmem:v7+s20+$0x0] =	vst.idx.add.f32.msk $0xffff, v1  }
0x95: {  	v5 =	vsel vm0, v5, v27;
	v4 =	vmul.f32 v29, v15;
	[tilespmem:v9+s20+$0x0] =	vst.idx.add.f32.msk $0xffff, v1  }
0x96: {  	vm0 =	vlt.f32 v13, $1.000000000e+00;
	[tilespmem:v7+s21+$0x0] =	vst.idx.add.f32.msk $0xffff, v5;
	v5 =	vmul.f32 v28, v16  }
0x97: {  	s24 =	sadd.s32 s2, s9;
	[tilespmem:v8+s20+$0x0] =	vst.idx.add.f32.msk $0xffff, v1;
	v4 =	vsel vm0, v4, v26;
	vm0 =	vlt.f32 v14, $1.000000000e+00  }
0x98: {  	s6 =	sshrl.u32 s24, $0x3;
	[tilespmem:v9+s21+$0x0] =	vst.idx.add.f32.msk $0xffff, v4;
	v4 =	vsel vm0, v5, v20  }
0x99: {  	s7 =	sadd.s32 s1, s6;
	[tilespmem:v8+s21+$0x0] =	vst.idx.add.f32.msk $0xffff, v4  }
0x9a: {  	[tilespmem:s4], [sflag:$0x1] =	stream.linear.gather [hbm4b:s7+s4], $0x2000, $0x38;
	[tilespmem:$0x10980] =	vst v63  }
0x9b: {  	s6 =	sadd.s32 s3, s6  }
0x9c: {  	[tilespmem:s15], [sflag:$0x2] =	stream.linear.gather [hbm4b:s6+s4], $0x2000, $0x38;
	[tilespmem:$0x10980] =	vst v63  }
0x9d: {  	_ =	swait.ge [sflag:s22], $0x2000  }
0x9e: {  	[sflag:s22] =	ssyncset.done $0x0  }
0x9f: {  	[sflag:s22] =	ssyncadd.s32 $0xFFFFE000  }
0xa0: {  	_ =	swait.ge [sflag:s23], $0x2000  }
0xa1: {  	[sflag:s23] =	ssyncset.done $0x0  }
0xa2: {  	s25 =	simm.s32 $0x2040;
	[sflag:s23] =	ssyncadd.s32 $0xFFFFE000  }
0xa3: {  	s28 =	simm.s32 $0x6040;
	v4 =	vld [tilespmem:s25+$0xFFFFFFC0]  }
0xa4: {  	v5 =	vld [tilespmem:s28+$0xFFFFFFC0]  }
0xa5: {  	v6 =	vld [tilespmem:s25+$0xFFFFFFD0]  }
0xa6: {  	v7 =	vld [tilespmem:s28+$0xFFFFFFD0]  }
0xa7: {  	v8 =	vld [tilespmem:s25+$0xFFFFFFE0]  }
0xa8: {  	v9 =	vld [tilespmem:s28+$0xFFFFFFE0]  }
0xa9: {  	v10 =	vld [tilespmem:s25+$0xFFFFFFF0]  }
0xaa: {  	v11 =	vld [tilespmem:s28+$0xFFFFFFF0]  }
0xab: {  	v16 =	vld [tilespmem:s25+$0x30]  }
0xac: {  	v23 =	vld [tilespmem:s28+$0x30];
	_ =	sdelay $0x2  }
0xad: {  	vm0 =	vgt.f32 v5, $0.0e+00;
	v17 =	vsub.f32 v4, v5;
	vm1 =	vgt.f32 v7, $0.0e+00  }
0xae: {  	v18 =	vsub.f32 v6, v7;
	vm2 =	vgt.f32 v9, $0.0e+00;
	v42 =	vsub.f32 v8, v9  }
0xaf: {  	v8 =	vsub.f32 v10, v11;
	v16 =	vsub.f32 v16, v23;
	v4 =	vsel vm0, $0x3F800000, v0  }
0xb0: {  	v12 =	vld [tilespmem:s25+$0x0];
	v5 =	vsel vm1, $0x3F800000, v0;
	v6 =	vsel vm2, $0x3F800000, v0;
	v3 =	vadd.f32 v4, v3  }
0xb1: {  	v7 =	vld [tilespmem:s28+$0x0];
	v4 =	vand.u32 $0x7FFFFFFF, v17;
	v19 =	vmul.f32 $5.000000000e-01, v17;
	v44 =	vmul.f32 $5.000000000e-01, v18  }
0xb2: {  	v14 =	vld [tilespmem:s25+$0x20];
	v45 =	vmul.f32 $5.000000000e-01, v42;
	v32 =	vmul.f32 $5.000000000e-01, v8;
	v20 =	vsel vm0, $0x0, v4  }
0xb3: {  	v9 =	vld [tilespmem:s28+$0x10];
	vm0 =	vgt.f32 v11, $0.0e+00;
	v3 =	vadd.f32 v5, v3;
	v5 =	vand.u32 $0x7FFFFFFF, v18  }
0xb4: {  	v11 =	vld [tilespmem:s28+$0x20];
	v10 =	vsel vm0, $0x3F800000, v0;
	vm7 =	veq.f32 v20, $0.0e+00;
	v33 =	vmul.f32 v19, v17  }
0xb5: {  	v18 =	vmul.f32 v44, v18;
	v17 =	vmul.f32 v45, v42;
	v21 =	vsel vm1, $0x0, v5  }
0xb6: {  	vm1 =	vgt.f32 v7, $0.0e+00;
	v3 =	vadd.f32 v6, v3;
	v6 =	vand.u32 $0x7FFFFFFF, v42  }
0xb7: {  	v13 =	vld [tilespmem:s25+$0x10];
	v28 =	vmin.f32 v21, $1.598437500e+01;
	vm4 =	veq.f32 v21, $0.0e+00;
	v22 =	vsel vm2, $0x0, v6  }
0xb8: {  	vm2 =	vgt.f32 v9, $0.0e+00;
	v3 =	vadd.f32 v10, v3;
	v10 =	vsub.f32 v12, v7  }
0xb9: {  	v7 =	vand.u32 $0x7FFFFFFF, v8;
	v12 =	vsel vm1, $0x3F800000, v0;
	v15 =	vsub.f32 v14, v11  }
0xba: {  	v14 =	vand.u32 $0x7FFFFFFF, v16;
	v30 =	vmin.f32 v22, $1.598437500e+01;
	vm5 =	veq.f32 v22, $0.0e+00  }
0xbb: {  	v24 =	vsel vm0, $0x0, v7;
	vm0 =	vgt.f32 v11, $0.0e+00;
	v21 =	vmul.f32 $6.400000000e+01, v30  }
0xbc: {  	v3 =	vadd.f32 v12, v3;
	v12 =	vsub.f32 v13, v9;
	v9 =	vand.u32 $0x7FFFFFFF, v10  }
0xbd: {  	v13 =	vsel vm2, $0x3F800000, v0;
	v31 =	vmin.f32 v24, $1.598437500e+01;
	v25 =	vsel vm1, $0x0, v9  }
0xbe: {  	vm1 =	vgt.f32 v23, $0.0e+00;
	v21 =	vtrunc.f32 v21;
	v3 =	vadd.f32 v13, v3  }
0xbf: {  	v11 =	vand.u32 $0x7FFFFFFF, v12;
	v13 =	vsel vm0, $0x3F800000, v0;
	v26 =	vsel vm1, $0x3F800000, v0  }
0xc0: {  	v29 =	vsel vm1, $0x0, v14;
	v56 =	vmin.f32 v25, $1.598437500e+01;
	vm6 =	veq.f32 v25, $0.0e+00  }
0xc1: {  	v39 =	vcvt.f32.s32 v21;
	v25 =	vadd.f32 $-5.000000000e-01, v9;
	v23 =	vsel vm2, $0x0, v11  }
0xc2: {  	v59 =	vmin.f32 v29, $1.598437500e+01;
	v22 =	vmul.f32 $6.400000000e+01, v56;
	vm2 =	veq.f32 v24, $0.0e+00  }
0xc3: {  	v3 =	vadd.f32 v13, v3;
	v13 =	vand.u32 $0x7FFFFFFF, v15;
	v57 =	vmin.f32 v23, $1.598437500e+01  }
0xc4: {  	v27 =	vsel vm0, $0x0, v13;
	v30 =	vmul.f32 $6.400000000e+01, v57;
	v22 =	vtrunc.f32 v22  }
0xc5: {  	vm0 =	veq.f32 v29, $0.0e+00;
	v29 =	vmul.f32 $5.000000000e-01, v15;
	v3 =	vadd.f32 v26, v3  }
0xc6: {  	v26 =	vmin.f32 v20, $1.598437500e+01;
	v20 =	vmul.f32 $6.400000000e+01, v28;
	v28 =	vmul.f32 $6.400000000e+01, v31  }
0xc7: {  	v58 =	vmin.f32 v27, $1.598437500e+01;
	v31 =	vmul.f32 $6.400000000e+01, v59;
	v37 =	vcvt.f32.s32 v22  }
0xc8: {  	vm3 =	veq.f32 v23, $0.0e+00;
	v26 =	vmul.f32 $6.400000000e+01, v26;
	v24 =	vmul.f32 $6.400000000e+01, v58  }
0xc9: {  	v23 =	vadd.f32 $-5.000000000e-01, v6;
	v62 =	vtrunc.f32 v30;
	v30 =	vmul.f32 $5.000000000e-01, v12  }
0xca: {  	v21 =	vadd.f32 $-5.000000000e-01, v13;
	v20 =	vtrunc.f32 v20;
	v61 =	vtrunc.f32 v28  }
0xcb: {  	vm1 =	veq.f32 v27, $0.0e+00;
	v43 =	vtrunc.f32 v31;
	v31 =	vmul.f32 $5.000000000e-01, v10  }
0xcc: {  	v27 =	vadd.f32 $-5.000000000e-01, v5;
	v28 =	vmul.f32 $5.000000000e-01, v16;
	v36 =	vcvt.f32.s32 v62  }
0xcd: {  	v22 =	vadd.f32 $-5.000000000e-01, v11;
	v60 =	vtrunc.f32 v26;
	v63 =	vtrunc.f32 v24  }
0xce: {  	v26 =	vadd.f32 $-5.000000000e-01, v4;
	v24 =	vadd.f32 $-5.000000000e-01, v7;
	v46 =	vcvt.f32.s32 v60  }
0xcf: {  	s30 =	sor.u32 $0x404, s0;
	v40 =	vcvt.f32.s32 v20;
	v38 =	vcvt.f32.s32 v61;
	v20 =	vadd.f32 $-5.000000000e-01, v14  }
0xd0: {  	s0 =	simm.s32 $0x0;
	s24 =	simm.s32 $0x20C0;
	s25 =	smov.u32 s5;
	v35 =	vcvt.f32.s32 v43;
	v34 =	vcvt.f32.s32 v63;
	v41 =	vsel vm7, s30, v46  }
.LBB2_7:
0xd1: {  	v19 =	vld [tilespmem:s24+$0xFFFFFFC0];
	v40 =	vsel vm4, s30, v40;
	v8 =	vmul.f32 v32, v8;
	v10 =	vmul.f32 v31, v10  }
0xd2: {  	v32 =	vsel vm5, s30, v39;
	v12 =	vmul.f32 v30, v12;
	v15 =	vmul.f32 v29, v15;
	v31 =	vld [tilespmem:s24+$0xFFFFFFD0]  }
0xd3: {  	v30 =	vsel vm2, s30, v38;
	v37 =	vsel vm6, s30, v37;
	v16 =	vmul.f32 v28, v16;
	v29 =	vld [tilespmem:s24+$0xFFFFFFE0]  }
0xd4: {  	v36 =	vsel vm3, s30, v36;
	v34 =	vsel vm1, s30, v34;
	v35 =	vsel vm0, s30, v35;
	v28 =	vld [tilespmem:s24+$0xFFFFFFF0]  }
0xd5: {  	vm1 =	vlt.f32 v4, $1.000000000e+00;
	vm2 =	vlt.f32 v5, $1.000000000e+00;
	vm3 =	vlt.f32 v6, $1.000000000e+00;
	v38 =	vld [tilespmem:s24+$0x0]  }
0xd6: {  	vm4 =	vlt.f32 v7, $1.000000000e+00;
	vm5 =	vlt.f32 v9, $1.000000000e+00;
	vm0 =	vlt.f32 v11, $1.000000000e+00;
	s28 =	sadd.s32 $0x80, s28;
	v39 =	vld [tilespmem:s24+$0x10]  }
0xd7: {  	s0 =	sadd.s32 $0x8, s0;
	v5 =	vadd.s32 v2, v41;
	vm6 =	vlt.f32 v13, $1.000000000e+00;
	vm7 =	vlt.f32 v14, $1.000000000e+00;
	v4 =	vld [tilespmem:s28+$0xFFFFFFC0]  }
0xd8: {  	p0 =	slt.u32 s0, $0x1F8;
	v6 =	vadd.s32 v2, v40;
	v9 =	vadd.s32 v2, v32;
	v13 =	vadd.s32 v2, v30;
	v11 =	vld [tilespmem:s24+$0x20]  }
0xd9: {  	v14 =	vadd.s32 v2, v37;
	v30 =	vadd.s32 v2, v36;
	v32 =	vadd.s32 v2, v34;
	v7 =	vld [tilespmem:s28+$0xFFFFFFD0]  }
0xda: {  	v26 =	vsel vm1, v33, v26;
	v27 =	vsel vm2, v18, v27;
	v33 =	vadd.s32 v2, v35;
	v34 =	vld [tilespmem:s24+$0x30]  }
0xdb: {  	v23 =	vsel vm3, v17, v23;
	v24 =	vsel vm4, v8, v24;
	v25 =	vsel vm5, v10, v25;
	v35 =	vld [tilespmem:s28+$0xFFFFFFE0]  }
0xdc: {  	v22 =	vsel vm0, v12, v22;
	vm1 =	vgt.f32 v4, $0.0e+00;
	v17 =	vsub.f32 v19, v4;
	[tilespmem:v5+s20+$0x0] =	vst.idx.add.f32.msk $0xffff, v1  }
0xdd: {  	v21 =	vsel vm6, v15, v21;
	v36 =	vsel vm7, v16, v20;
	v4 =	vsel vm1, $0x3F800000, v0;
	v8 =	vld [tilespmem:s28+$0xFFFFFFF0]  }
0xde: {  	v3 =	vadd.f32 v4, v3;
	vm0 =	vgt.f32 v7, $0.0e+00;
	v18 =	vsub.f32 v31, v7;
	[tilespmem:v5+s21+$0x0] =	vst.idx.add.f32.msk $0xffff, v26  }
0xdf: {  	v4 =	vand.u32 $0x7FFFFFFF, v17;
	v20 =	vmul.f32 $5.000000000e-01, v17;
	v5 =	vsel vm0, $0x3F800000, v0;
	v7 =	vld [tilespmem:s28+$0x0]  }
0xe0: {  	v3 =	vadd.f32 v5, v3;
	vm2 =	vgt.f32 v35, $0.0e+00;
	v19 =	vsub.f32 v29, v35;
	[tilespmem:v6+s20+$0x0] =	vst.idx.add.f32.msk $0xffff, v1  }
0xe1: {  	v26 =	vsel vm1, $0x0, v4;
	v5 =	vand.u32 $0x7FFFFFFF, v18;
	v10 =	vsel vm2, $0x3F800000, v0;
	v12 =	vld [tilespmem:s28+$0x10]  }
0xe2: {  	v3 =	vadd.f32 v10, v3;
	vm1 =	vgt.f32 v8, $0.0e+00;
	v8 =	vsub.f32 v28, v8;
	[tilespmem:v6+s21+$0x0] =	vst.idx.add.f32.msk $0xffff, v27  }
0xe3: {  	v27 =	vsel vm0, $0x0, v5;
	v6 =	vand.u32 $0x7FFFFFFF, v19;
	v10 =	vsel vm1, $0x3F800000, v0;
	v15 =	vld [tilespmem:s28+$0x20]  }
0xe4: {  	v3 =	vadd.f32 v10, v3;
	vm0 =	vgt.f32 v7, $0.0e+00;
	v10 =	vsub.f32 v38, v7;
	[tilespmem:v9+s20+$0x0] =	vst.idx.add.f32.msk $0xffff, v1  }
0xe5: {  	v28 =	vsel vm2, $0x0, v6;
	v7 =	vand.u32 $0x7FFFFFFF, v8;
	v16 =	vsel vm0, $0x3F800000, v0;
	v29 =	vld [tilespmem:s28+$0x30]  }
0xe6: {  	v3 =	vadd.f32 v16, v3;
	vm2 =	vgt.f32 v12, $0.0e+00;
	v12 =	vsub.f32 v39, v12;
	[tilespmem:v9+s21+$0x0] =	vst.idx.add.f32.msk $0xffff, v23  }
0xe7: {  	v23 =	vsel vm1, $0x0, v7;
	v9 =	vand.u32 $0x7FFFFFFF, v10;
	v16 =	vsel vm2, $0x3F800000, v0;
	[tilespmem:v13+s20+$0x0] =	vst.idx.add.f32.msk $0xffff, v1  }
0xe8: {  	v3 =	vadd.f32 v16, v3;
	vm1 =	vgt.f32 v15, $0.0e+00;
	v15 =	vsub.f32 v11, v15;
	[tilespmem:v13+s21+$0x0] =	vst.idx.add.f32.msk $0xffff, v24  }
0xe9: {  	v24 =	vsel vm0, $0x0, v9;
	v11 =	vand.u32 $0x7FFFFFFF, v12;
	v13 =	vsel vm1, $0x3F800000, v0;
	[tilespmem:v14+s20+$0x0] =	vst.idx.add.f32.msk $0xffff, v1  }
0xea: {  	v3 =	vadd.f32 v13, v3;
	vm0 =	vgt.f32 v29, $0.0e+00;
	v16 =	vsub.f32 v34, v29;
	[tilespmem:v14+s21+$0x0] =	vst.idx.add.f32.msk $0xffff, v25  }
0xeb: {  	v25 =	vsel vm2, $0x0, v11;
	v13 =	vand.u32 $0x7FFFFFFF, v15;
	v29 =	vsel vm0, $0x3F800000, v0;
	[tilespmem:v30+s20+$0x0] =	vst.idx.add.f32.msk $0xffff, v1  }
0xec: {  	v31 =	vsel vm1, $0x0, v13;
	v14 =	vand.u32 $0x7FFFFFFF, v16;
	v3 =	vadd.f32 v29, v3;
	[tilespmem:v30+s21+$0x0] =	vst.idx.add.f32.msk $0xffff, v22  }
0xed: {  	v22 =	vmin.f32 v26, $1.598437500e+01;
	v29 =	vmin.f32 v27, $1.598437500e+01;
	v30 =	vsel vm0, $0x0, v14;
	[tilespmem:v32+s20+$0x0] =	vst.idx.add.f32.msk $0xffff, v1  }
0xee: {  	v35 =	vmin.f32 v23, $1.598437500e+01;
	v37 =	vmin.f32 v24, $1.598437500e+01;
	v34 =	vmin.f32 v28, $1.598437500e+01;
	[tilespmem:v32+s21+$0x0] =	vst.idx.add.f32.msk $0xffff, v21  }
0xef: {  	v21 =	vmin.f32 v25, $1.598437500e+01;
	v32 =	vmin.f32 v31, $1.598437500e+01;
	v38 =	vmin.f32 v30, $1.598437500e+01;
	[tilespmem:v33+s20+$0x0] =	vst.idx.add.f32.msk $0xffff, v1  }
0xf0: {  	vm7 =	veq.f32 v26, $0.0e+00;
	v22 =	vmul.f32 $6.400000000e+01, v22;
	v26 =	vmul.f32 $6.400000000e+01, v29;
	[tilespmem:v33+s21+$0x0] =	vst.idx.add.f32.msk $0xffff, v36  }
0xf1: {  	vm4 =	veq.f32 v27, $0.0e+00;
	v27 =	vmul.f32 $6.400000000e+01, v34;
	v29 =	vmul.f32 $6.400000000e+01, v35  }
0xf2: {  	vm5 =	veq.f32 v28, $0.0e+00;
	v28 =	vmul.f32 $6.400000000e+01, v37;
	v21 =	vmul.f32 $6.400000000e+01, v21  }
0xf3: {  	vm2 =	veq.f32 v23, $0.0e+00;
	v23 =	vmul.f32 $6.400000000e+01, v32;
	v32 =	vmul.f32 $6.400000000e+01, v38  }
0xf4: {  	vm6 =	veq.f32 v24, $0.0e+00;
	v22 =	vtrunc.f32 v22;
	v33 =	vtrunc.f32 v26  }
0xf5: {  	vm3 =	veq.f32 v25, $0.0e+00;
	v34 =	vtrunc.f32 v27;
	v35 =	vtrunc.f32 v29  }
0xf6: {  	vm1 =	veq.f32 v31, $0.0e+00;
	v36 =	vtrunc.f32 v28;
	v21 =	vtrunc.f32 v21  }
0xf7: {  	vm0 =	veq.f32 v30, $0.0e+00;
	v41 =	vtrunc.f32 v23;
	v42 =	vtrunc.f32 v32  }
0xf8: {  	v43 =	vmul.f32 $5.000000000e-01, v18;
	v44 =	vmul.f32 $5.000000000e-01, v19;
	v26 =	vadd.f32 $-5.000000000e-01, v4  }
0xf9: {  	v27 =	vadd.f32 $-5.000000000e-01, v5;
	v31 =	vmul.f32 $5.000000000e-01, v10;
	v32 =	vmul.f32 $5.000000000e-01, v8  }
0xfa: {  	v30 =	vmul.f32 $5.000000000e-01, v12;
	v29 =	vmul.f32 $5.000000000e-01, v15;
	v23 =	vadd.f32 $-5.000000000e-01, v6  }
0xfb: {  	v24 =	vadd.f32 $-5.000000000e-01, v7;
	v45 =	vcvt.f32.s32 v22;
	v28 =	vmul.f32 $5.000000000e-01, v16  }
.Ltmp2:
0xfc: {  	v25 =	vadd.f32 $-5.000000000e-01, v9;
	v39 =	vcvt.f32.s32 v34;
	v40 =	vcvt.f32.s32 v33;
	(pc) =	sbr.rel @p0 .LBB2_7-.Ltmp2, $4  }
0xfd: {  	s25 =	sadd.s32 $0x80, s25;
	v38 =	vcvt.f32.s32 v35;
	v22 =	vadd.f32 $-5.000000000e-01, v11;
	v37 =	vcvt.f32.s32 v36  }
0xfe: {  	s6 =	sshrl.u32 s25, $0xB;
	v36 =	vcvt.f32.s32 v21;
	v21 =	vadd.f32 $-5.000000000e-01, v13;
	v34 =	vcvt.f32.s32 v41  }
0xff: {  	s30 =	sor.u32 $0x404, s6;
	v33 =	vmul.f32 v20, v17;
	v20 =	vadd.f32 $-5.000000000e-01, v14;
	v35 =	vcvt.f32.s32 v42  }
0x100: {  	s24 =	sadd.s32 $0x80, s24;
	v18 =	vmul.f32 v43, v18;
	v17 =	vmul.f32 v44, v19;
	v41 =	vsel vm7, s30, v45  }
0x101: {  	v19 =	vadd.s32 v2, v41  }
0x102: {  	v40 =	vsel vm4, s30, v40  }
0x103: {  	v39 =	vsel vm5, s30, v39;
	v40 =	vadd.s32 v2, v40  }
0x104: {  	vm8 =	vlt.f32 v4, $1.000000000e+00;
	v38 =	vsel vm2, s30, v38;
	v4 =	vadd.s32 v2, v39  }
0x105: {  	vm9 =	vlt.f32 v5, $1.000000000e+00;
	v57 =	vsel vm6, s30, v37;
	v5 =	vadd.s32 v2, v38  }
0x106: {  	v59 =	vsel vm3, s30, v36;
	v26 =	vsel vm8, v33, v26;
	v58 =	vadd.s32 v2, v57;
	[tilespmem:v19+s20+$0x0] =	vst.idx.add.f32.msk $0xffff, v1  }
0x107: {  	v60 =	vadd.s32 v2, v59;
	[tilespmem:v19+s21+$0x0] =	vst.idx.add.f32.msk $0xffff, v26  }
0x108: {  	[tilespmem:v40+s20+$0x0] =	vst.idx.add.f32.msk $0xffff, v1  }
0x109: {  	v61 =	vsel vm1, s30, v34;
	[tilespmem:v4+s20+$0x0] =	vst.idx.add.f32.msk $0xffff, v1  }
0x10a: {  	v62 =	vadd.s32 v2, v61;
	[tilespmem:v5+s20+$0x0] =	vst.idx.add.f32.msk $0xffff, v1  }
0x10b: {  	vm10 =	vlt.f32 v6, $1.000000000e+00;
	v8 =	vmul.f32 v32, v8;
	[tilespmem:v58+s20+$0x0] =	vst.idx.add.f32.msk $0xffff, v1  }
0x10c: {  	vm11 =	vlt.f32 v7, $1.000000000e+00;
	v17 =	vsel vm10, v17, v23;
	[tilespmem:v60+s20+$0x0] =	vst.idx.add.f32.msk $0xffff, v1  }
0x10d: {  	v63 =	vsel vm0, s30, v35;
	v8 =	vsel vm11, v8, v24;
	[tilespmem:v4+s21+$0x0] =	vst.idx.add.f32.msk $0xffff, v17  }
0x10e: {  	v4 =	vmul.f32 v31, v10;
	[tilespmem:v5+s21+$0x0] =	vst.idx.add.f32.msk $0xffff, v8;
	v8 =	vadd.s32 v2, v63  }
0x10f: {  	vm12 =	vlt.f32 v9, $1.000000000e+00;
	v18 =	vsel vm9, v18, v27;
	[tilespmem:v62+s20+$0x0] =	vst.idx.add.f32.msk $0xffff, v1;
	v5 =	vmul.f32 v30, v12  }
0x110: {  	vm13 =	vlt.f32 v11, $1.000000000e+00;
	[tilespmem:v40+s21+$0x0] =	vst.idx.add.f32.msk $0xffff, v18;
	v4 =	vsel vm12, v4, v25  }
0x111: {  	v5 =	vsel vm13, v5, v22;
	[tilespmem:v58+s21+$0x0] =	vst.idx.add.f32.msk $0xffff, v4;
	v4 =	vmul.f32 v29, v15  }
0x112: {  	vm14 =	vlt.f32 v13, $1.000000000e+00;
	s31 =	sadd.s32 $0x1, s31;
	[tilespmem:v60+s21+$0x0] =	vst.idx.add.f32.msk $0xffff, v5;
	v5 =	vmul.f32 v28, v16  }
0x113: {  	vm15 =	vlt.f32 v14, $1.000000000e+00;
	s0 =	sadd.s32 s2, s10;
	p0 =	sne.s32 s31, $0x7;
	v4 =	vsel vm14, v4, v21;
	[tilespmem:v8+s20+$0x0] =	vst.idx.add.f32.msk $0xffff, v1  }
.Ltmp3:
0x114: {  	s0 =	sshrl.u32 s0, $0x3;
	[tilespmem:v62+s21+$0x0] =	vst.idx.add.f32.msk $0xffff, v4;
	v4 =	vsel vm15, v5, v20;
	(pc) =	sbr.rel @p0 .LBB2_4-.Ltmp3, $4  }
0x115: {  	s30 =	sadd.s32 s1, s0;
	[tilespmem:v8+s21+$0x0] =	vst.idx.add.f32.msk $0xffff, v4  }
0x116: {  	[tilespmem:s16], [sflag:$0x3] =	stream.linear.gather [hbm4b:s30+s4], $0x2000, $0x38;
	[tilespmem:$0x10980] =	vst v63  }
0x117: {  	s5 =	sadd.s32 $0x4000, s5;
	s0 =	sadd.s32 s3, s0  }
0x118: {  	[tilespmem:s17], [sflag:$0x4] =	stream.linear.gather [hbm4b:s0+s4], $0x2000, $0x38;
	[tilespmem:$0x10980] =	vst v63  }
0x119: {  	_ =	swait.ge [sflag:s18], $0x2000  }
0x11a: {  	[sflag:s18] =	ssyncset.done $0x0  }
0x11b: {  	[sflag:s18] =	ssyncadd.s32 $0xFFFFE000  }
0x11c: {  	_ =	swait.ge [sflag:s19], $0x2000  }
0x11d: {  	[sflag:s19] =	ssyncset.done $0x0  }
0x11e: {  	s2 =	simm.s32 $0x40;
	[sflag:s19] =	ssyncadd.s32 $0xFFFFE000  }
0x11f: {  	s0 =	simm.s32 $0x4040;
	v4 =	vld [tilespmem:s2+$0xFFFFFFC0]  }
0x120: {  	v5 =	vld [tilespmem:s0+$0xFFFFFFC0]  }
0x121: {  	v6 =	vld [tilespmem:s2+$0xFFFFFFD0]  }
0x122: {  	v7 =	vld [tilespmem:s0+$0xFFFFFFD0]  }
0x123: {  	v8 =	vld [tilespmem:s2+$0xFFFFFFE0]  }
0x124: {  	v9 =	vld [tilespmem:s0+$0xFFFFFFE0]  }
0x125: {  	v10 =	vld [tilespmem:s2+$0xFFFFFFF0]  }
0x126: {  	v11 =	vld [tilespmem:s0+$0xFFFFFFF0]  }
0x127: {  	v16 =	vld [tilespmem:s2+$0x30]  }
0x128: {  	v23 =	vld [tilespmem:s0+$0x30];
	_ =	sdelay $0x2  }
0x129: {  	vm0 =	vgt.f32 v5, $0.0e+00;
	v17 =	vsub.f32 v4, v5;
	vm1 =	vgt.f32 v7, $0.0e+00  }
0x12a: {  	v18 =	vsub.f32 v6, v7;
	vm2 =	vgt.f32 v9, $0.0e+00;
	v42 =	vsub.f32 v8, v9  }
0x12b: {  	v12 =	vld [tilespmem:s2+$0x0];
	v8 =	vsub.f32 v10, v11;
	v16 =	vsub.f32 v16, v23;
	v4 =	vsel vm0, $0x3F800000, v0  }
0x12c: {  	v7 =	vld [tilespmem:s0+$0x0];
	v5 =	vsel vm1, $0x3F800000, v0;
	v6 =	vsel vm2, $0x3F800000, v0;
	v4 =	vadd.f32 v4, v3  }
0x12d: {  	v14 =	vld [tilespmem:s2+$0x20];
	v3 =	vand.u32 $0x7FFFFFFF, v17;
	v19 =	vmul.f32 $5.000000000e-01, v17;
	v44 =	vmul.f32 $5.000000000e-01, v18  }
0x12e: {  	v9 =	vld [tilespmem:s0+$0x10];
	v45 =	vmul.f32 $5.000000000e-01, v42;
	v20 =	vsel vm0, $0x0, v3;
	vm0 =	vgt.f32 v11, $0.0e+00  }
0x12f: {  	v11 =	vld [tilespmem:s0+$0x20];
	v4 =	vadd.f32 v5, v4;
	v5 =	vand.u32 $0x7FFFFFFF, v18;
	v10 =	vsel vm0, $0x3F800000, v0  }
0x130: {  	vm7 =	veq.f32 v20, $0.0e+00;
	v18 =	vmul.f32 v44, v18;
	v21 =	vsel vm1, $0x0, v5  }
0x131: {  	vm1 =	vgt.f32 v7, $0.0e+00;
	v4 =	vadd.f32 v6, v4;
	v6 =	vand.u32 $0x7FFFFFFF, v42  }
0x132: {  	v13 =	vld [tilespmem:s2+$0x10];
	v28 =	vmin.f32 v21, $1.598437500e+01;
	vm4 =	veq.f32 v21, $0.0e+00;
	v22 =	vsel vm2, $0x0, v6  }
0x133: {  	vm2 =	vgt.f32 v9, $0.0e+00;
	v4 =	vadd.f32 v10, v4;
	v10 =	vsub.f32 v12, v7  }
0x134: {  	v7 =	vand.u32 $0x7FFFFFFF, v8;
	v12 =	vsel vm1, $0x3F800000, v0;
	v15 =	vsub.f32 v14, v11  }
0x135: {  	v14 =	vand.u32 $0x7FFFFFFF, v16;
	v30 =	vmin.f32 v22, $1.598437500e+01;
	vm5 =	veq.f32 v22, $0.0e+00  }
0x136: {  	v24 =	vsel vm0, $0x0, v7;
	vm0 =	vgt.f32 v11, $0.0e+00;
	v21 =	vmul.f32 $6.400000000e+01, v30  }
0x137: {  	v4 =	vadd.f32 v12, v4;
	v12 =	vsub.f32 v13, v9;
	v9 =	vand.u32 $0x7FFFFFFF, v10  }
0x138: {  	v13 =	vsel vm2, $0x3F800000, v0;
	v31 =	vmin.f32 v24, $1.598437500e+01;
	v25 =	vsel vm1, $0x0, v9  }
0x139: {  	vm1 =	vgt.f32 v23, $0.0e+00;
	v21 =	vtrunc.f32 v21;
	v4 =	vadd.f32 v13, v4  }
0x13a: {  	v11 =	vand.u32 $0x7FFFFFFF, v12;
	v13 =	vsel vm0, $0x3F800000, v0;
	v26 =	vsel vm1, $0x3F800000, v0  }
0x13b: {  	v29 =	vsel vm1, $0x0, v14;
	v32 =	vmin.f32 v25, $1.598437500e+01;
	vm6 =	veq.f32 v25, $0.0e+00  }
0x13c: {  	v39 =	vcvt.f32.s32 v21;
	v25 =	vadd.f32 $-5.000000000e-01, v9;
	v23 =	vsel vm2, $0x0, v11  }
0x13d: {  	v35 =	vmin.f32 v29, $1.598437500e+01;
	v22 =	vmul.f32 $6.400000000e+01, v32;
	vm2 =	veq.f32 v24, $0.0e+00  }
0x13e: {  	v4 =	vadd.f32 v13, v4;
	v13 =	vand.u32 $0x7FFFFFFF, v15;
	v33 =	vmin.f32 v23, $1.598437500e+01  }
0x13f: {  	v32 =	vmul.f32 $5.000000000e-01, v8;
	v27 =	vsel vm0, $0x0, v13;
	v30 =	vmul.f32 $6.400000000e+01, v33  }
0x140: {  	v22 =	vtrunc.f32 v22;
	vm0 =	veq.f32 v29, $0.0e+00;
	v29 =	vmul.f32 $5.000000000e-01, v15  }
0x141: {  	v33 =	vmul.f32 v19, v17;
	v17 =	vmul.f32 v45, v42;
	v4 =	vadd.f32 v26, v4  }
0x142: {  	v26 =	vmin.f32 v20, $1.598437500e+01;
	v20 =	vmul.f32 $6.400000000e+01, v28;
	v28 =	vmul.f32 $6.400000000e+01, v31  }
0x143: {  	v34 =	vmin.f32 v27, $1.598437500e+01;
	v31 =	vmul.f32 $6.400000000e+01, v35;
	v37 =	vcvt.f32.s32 v22  }
0x144: {  	vm3 =	veq.f32 v23, $0.0e+00;
	v26 =	vmul.f32 $6.400000000e+01, v26;
	v24 =	vmul.f32 $6.400000000e+01, v34  }
0x145: {  	v23 =	vadd.f32 $-5.000000000e-01, v6;
	v63 =	vtrunc.f32 v30;
	v30 =	vmul.f32 $5.000000000e-01, v12  }
0x146: {  	v21 =	vadd.f32 $-5.000000000e-01, v13;
	v20 =	vtrunc.f32 v20;
	v62 =	vtrunc.f32 v28  }
0x147: {  	vm1 =	veq.f32 v27, $0.0e+00;
	v43 =	vtrunc.f32 v31;
	v31 =	vmul.f32 $5.000000000e-01, v10  }
0x148: {  	v27 =	vadd.f32 $-5.000000000e-01, v5;
	v28 =	vmul.f32 $5.000000000e-01, v16;
	v36 =	vcvt.f32.s32 v63  }
0x149: {  	v22 =	vadd.f32 $-5.000000000e-01, v11;
	v61 =	vtrunc.f32 v26;
	v41 =	vtrunc.f32 v24  }
0x14a: {  	s31 =	simm.s32 $0x0;
	v26 =	vadd.f32 $-5.000000000e-01, v3;
	v24 =	vadd.f32 $-5.000000000e-01, v7;
	v46 =	vcvt.f32.s32 v61  }
0x14b: {  	s24 =	sor.u32 $0x438, s31;
	v40 =	vcvt.f32.s32 v20;
	v38 =	vcvt.f32.s32 v62;
	v20 =	vadd.f32 $-5.000000000e-01, v14  }
0x14c: {  	s5 =	simm.s32 $0xC0;
	s2 =	simm.s32 $0x0;
	v35 =	vcvt.f32.s32 v43;
	v34 =	vcvt.f32.s32 v41;
	v41 =	vsel vm7, s24, v46  }
.LBB2_10:
0x14d: {  	v19 =	vld [tilespmem:s5+$0xFFFFFFC0];
	v40 =	vsel vm4, s24, v40;
	v8 =	vmul.f32 v32, v8;
	v10 =	vmul.f32 v31, v10  }
0x14e: {  	v32 =	vsel vm5, s24, v39;
	v12 =	vmul.f32 v30, v12;
	v15 =	vmul.f32 v29, v15;
	v31 =	vld [tilespmem:s5+$0xFFFFFFD0]  }
0x14f: {  	v30 =	vsel vm2, s24, v38;
	v37 =	vsel vm6, s24, v37;
	v16 =	vmul.f32 v28, v16;
	v29 =	vld [tilespmem:s5+$0xFFFFFFE0]  }
0x150: {  	v36 =	vsel vm3, s24, v36;
	v34 =	vsel vm1, s24, v34;
	v35 =	vsel vm0, s24, v35;
	v28 =	vld [tilespmem:s5+$0xFFFFFFF0]  }
0x151: {  	vm0 =	vlt.f32 v3, $1.000000000e+00;
	vm1 =	vlt.f32 v5, $1.000000000e+00;
	vm2 =	vlt.f32 v6, $1.000000000e+00;
	v38 =	vld [tilespmem:s5+$0x0]  }
0x152: {  	vm3 =	vlt.f32 v7, $1.000000000e+00;
	vm4 =	vlt.f32 v9, $1.000000000e+00;
	vm5 =	vlt.f32 v11, $1.000000000e+00;
	s0 =	sadd.s32 $0x80, s0;
	v39 =	vld [tilespmem:s5+$0x10]  }
0x153: {  	v5 =	vadd.s32 v2, v41;
	vm6 =	vlt.f32 v13, $1.000000000e+00;
	vm7 =	vlt.f32 v14, $1.000000000e+00;
	v3 =	vld [tilespmem:s0+$0xFFFFFFC0]  }
0x154: {  	v6 =	vadd.s32 v2, v40;
	v9 =	vadd.s32 v2, v32;
	v13 =	vadd.s32 v2, v30;
	v11 =	vld [tilespmem:s5+$0x20]  }
0x155: {  	v14 =	vadd.s32 v2, v37;
	v30 =	vadd.s32 v2, v36;
	v32 =	vadd.s32 v2, v34;
	v7 =	vld [tilespmem:s0+$0xFFFFFFD0]  }
0x156: {  	v26 =	vsel vm0, v33, v26;
	v27 =	vsel vm1, v18, v27;
	v33 =	vadd.s32 v2, v35;
	v34 =	vld [tilespmem:s5+$0x30]  }
0x157: {  	v23 =	vsel vm2, v17, v23;
	v24 =	vsel vm3, v8, v24;
	v25 =	vsel vm4, v10, v25;
	v35 =	vld [tilespmem:s0+$0xFFFFFFE0]  }
0x158: {  	v22 =	vsel vm5, v12, v22;
	vm0 =	vgt.f32 v3, $0.0e+00;
	v17 =	vsub.f32 v19, v3;
	[tilespmem:v5+s20+$0x0] =	vst.idx.add.f32.msk $0xffff, v1  }
0x159: {  	v21 =	vsel vm6, v15, v21;
	v36 =	vsel vm7, v16, v20;
	v3 =	vsel vm0, $0x3F800000, v0;
	v8 =	vld [tilespmem:s0+$0xFFFFFFF0]  }
0x15a: {  	v4 =	vadd.f32 v3, v4;
	vm1 =	vgt.f32 v7, $0.0e+00;
	v18 =	vsub.f32 v31, v7;
	[tilespmem:v5+s21+$0x0] =	vst.idx.add.f32.msk $0xffff, v26  }
0x15b: {  	v3 =	vand.u32 $0x7FFFFFFF, v17;
	v20 =	vmul.f32 $5.000000000e-01, v17;
	v5 =	vsel vm1, $0x3F800000, v0;
	v7 =	vld [tilespmem:s0+$0x0]  }
0x15c: {  	v4 =	vadd.f32 v5, v4;
	vm2 =	vgt.f32 v35, $0.0e+00;
	v19 =	vsub.f32 v29, v35;
	[tilespmem:v6+s20+$0x0] =	vst.idx.add.f32.msk $0xffff, v1  }
0x15d: {  	v26 =	vsel vm0, $0x0, v3;
	v5 =	vand.u32 $0x7FFFFFFF, v18;
	v10 =	vsel vm2, $0x3F800000, v0;
	v12 =	vld [tilespmem:s0+$0x10]  }
0x15e: {  	v4 =	vadd.f32 v10, v4;
	vm0 =	vgt.f32 v8, $0.0e+00;
	v8 =	vsub.f32 v28, v8;
	[tilespmem:v6+s21+$0x0] =	vst.idx.add.f32.msk $0xffff, v27  }
0x15f: {  	v27 =	vsel vm1, $0x0, v5;
	v6 =	vand.u32 $0x7FFFFFFF, v19;
	v10 =	vsel vm0, $0x3F800000, v0;
	v15 =	vld [tilespmem:s0+$0x20]  }
0x160: {  	v4 =	vadd.f32 v10, v4;
	vm1 =	vgt.f32 v7, $0.0e+00;
	v10 =	vsub.f32 v38, v7;
	[tilespmem:v9+s20+$0x0] =	vst.idx.add.f32.msk $0xffff, v1  }
0x161: {  	v28 =	vsel vm2, $0x0, v6;
	v7 =	vand.u32 $0x7FFFFFFF, v8;
	v16 =	vsel vm1, $0x3F800000, v0;
	v29 =	vld [tilespmem:s0+$0x30]  }
0x162: {  	v4 =	vadd.f32 v16, v4;
	vm2 =	vgt.f32 v12, $0.0e+00;
	v12 =	vsub.f32 v39, v12;
	[tilespmem:v9+s21+$0x0] =	vst.idx.add.f32.msk $0xffff, v23  }
0x163: {  	v23 =	vsel vm0, $0x0, v7;
	v9 =	vand.u32 $0x7FFFFFFF, v10;
	v16 =	vsel vm2, $0x3F800000, v0;
	[tilespmem:v13+s20+$0x0] =	vst.idx.add.f32.msk $0xffff, v1  }
0x164: {  	v4 =	vadd.f32 v16, v4;
	vm0 =	vgt.f32 v15, $0.0e+00;
	v15 =	vsub.f32 v11, v15;
	[tilespmem:v13+s21+$0x0] =	vst.idx.add.f32.msk $0xffff, v24  }
0x165: {  	v24 =	vsel vm1, $0x0, v9;
	v11 =	vand.u32 $0x7FFFFFFF, v12;
	v13 =	vsel vm0, $0x3F800000, v0;
	[tilespmem:v14+s20+$0x0] =	vst.idx.add.f32.msk $0xffff, v1  }
0x166: {  	v4 =	vadd.f32 v13, v4;
	vm1 =	vgt.f32 v29, $0.0e+00;
	v16 =	vsub.f32 v34, v29;
	[tilespmem:v14+s21+$0x0] =	vst.idx.add.f32.msk $0xffff, v25  }
0x167: {  	v25 =	vsel vm2, $0x0, v11;
	v13 =	vand.u32 $0x7FFFFFFF, v15;
	v29 =	vsel vm1, $0x3F800000, v0;
	[tilespmem:v30+s20+$0x0] =	vst.idx.add.f32.msk $0xffff, v1  }
0x168: {  	v31 =	vsel vm0, $0x0, v13;
	v14 =	vand.u32 $0x7FFFFFFF, v16;
	v4 =	vadd.f32 v29, v4;
	[tilespmem:v30+s21+$0x0] =	vst.idx.add.f32.msk $0xffff, v22  }
0x169: {  	v22 =	vmin.f32 v26, $1.598437500e+01;
	v29 =	vmin.f32 v27, $1.598437500e+01;
	v30 =	vsel vm1, $0x0, v14;
	[tilespmem:v32+s20+$0x0] =	vst.idx.add.f32.msk $0xffff, v1  }
0x16a: {  	v35 =	vmin.f32 v23, $1.598437500e+01;
	v37 =	vmin.f32 v24, $1.598437500e+01;
	v34 =	vmin.f32 v28, $1.598437500e+01;
	[tilespmem:v32+s21+$0x0] =	vst.idx.add.f32.msk $0xffff, v21  }
0x16b: {  	v21 =	vmin.f32 v25, $1.598437500e+01;
	v32 =	vmin.f32 v31, $1.598437500e+01;
	v38 =	vmin.f32 v30, $1.598437500e+01;
	[tilespmem:v33+s20+$0x0] =	vst.idx.add.f32.msk $0xffff, v1  }
0x16c: {  	vm7 =	veq.f32 v26, $0.0e+00;
	v22 =	vmul.f32 $6.400000000e+01, v22;
	v26 =	vmul.f32 $6.400000000e+01, v29;
	[tilespmem:v33+s21+$0x0] =	vst.idx.add.f32.msk $0xffff, v36  }
0x16d: {  	vm4 =	veq.f32 v27, $0.0e+00;
	v27 =	vmul.f32 $6.400000000e+01, v34;
	v29 =	vmul.f32 $6.400000000e+01, v35  }
0x16e: {  	vm5 =	veq.f32 v28, $0.0e+00;
	v28 =	vmul.f32 $6.400000000e+01, v37;
	v21 =	vmul.f32 $6.400000000e+01, v21  }
0x16f: {  	vm2 =	veq.f32 v23, $0.0e+00;
	v23 =	vmul.f32 $6.400000000e+01, v32;
	v32 =	vmul.f32 $6.400000000e+01, v38  }
0x170: {  	vm6 =	veq.f32 v24, $0.0e+00;
	v22 =	vtrunc.f32 v22;
	v33 =	vtrunc.f32 v26  }
0x171: {  	vm3 =	veq.f32 v25, $0.0e+00;
	v34 =	vtrunc.f32 v27;
	v35 =	vtrunc.f32 v29  }
0x172: {  	vm1 =	veq.f32 v31, $0.0e+00;
	v36 =	vtrunc.f32 v28;
	v21 =	vtrunc.f32 v21  }
0x173: {  	vm0 =	veq.f32 v30, $0.0e+00;
	v41 =	vtrunc.f32 v23;
	v42 =	vtrunc.f32 v32  }
0x174: {  	v43 =	vmul.f32 $5.000000000e-01, v18;
	v44 =	vmul.f32 $5.000000000e-01, v19;
	v26 =	vadd.f32 $-5.000000000e-01, v3  }
0x175: {  	v27 =	vadd.f32 $-5.000000000e-01, v5;
	v31 =	vmul.f32 $5.000000000e-01, v10;
	v32 =	vmul.f32 $5.000000000e-01, v8  }
0x176: {  	s2 =	sadd.s32 $0x8, s2;
	v30 =	vmul.f32 $5.000000000e-01, v12;
	v29 =	vmul.f32 $5.000000000e-01, v15;
	v23 =	vadd.f32 $-5.000000000e-01, v6  }
0x177: {  	p0 =	slt.u32 s2, $0x1F8;
	v24 =	vadd.f32 $-5.000000000e-01, v7;
	v45 =	vcvt.f32.s32 v22;
	v28 =	vmul.f32 $5.000000000e-01, v16  }
.Ltmp4:
0x178: {  	v25 =	vadd.f32 $-5.000000000e-01, v9;
	v39 =	vcvt.f32.s32 v34;
	v40 =	vcvt.f32.s32 v33;
	(pc) =	sbr.rel @p0 .LBB2_10-.Ltmp4, $4  }
0x179: {  	v38 =	vcvt.f32.s32 v35;
	v22 =	vadd.f32 $-5.000000000e-01, v11;
	v37 =	vcvt.f32.s32 v36  }
0x17a: {  	s6 =	sshrl.u32 s2, $0x7;
	v36 =	vcvt.f32.s32 v21;
	v21 =	vadd.f32 $-5.000000000e-01, v13;
	v34 =	vcvt.f32.s32 v41  }
0x17b: {  	s24 =	sor.u32 $0x438, s6;
	v33 =	vmul.f32 v20, v17;
	v20 =	vadd.f32 $-5.000000000e-01, v14;
	v35 =	vcvt.f32.s32 v42  }
0x17c: {  	s5 =	sadd.s32 $0x80, s5;
	v18 =	vmul.f32 v43, v18;
	v17 =	vmul.f32 v44, v19;
	v41 =	vsel vm7, s24, v45  }
0x17d: {  	v19 =	vadd.s32 v2, v41  }
0x17e: {  	v40 =	vsel vm4, s24, v40  }
0x17f: {  	v39 =	vsel vm5, s24, v39;
	v40 =	vadd.s32 v2, v40  }
0x180: {  	vm4 =	vlt.f32 v3, $1.000000000e+00;
	v3 =	vadd.s32 v2, v39;
	_ =	sdelay $0x1  }
0x181: {  	v38 =	vsel vm2, s24, v38;
	v26 =	vsel vm4, v33, v26;
	[tilespmem:v19+s20+$0x0] =	vst.idx.add.f32.msk $0xffff, v1  }
0x182: {  	vm2 =	vlt.f32 v5, $1.000000000e+00;
	v5 =	vadd.s32 v2, v38;
	[tilespmem:v19+s21+$0x0] =	vst.idx.add.f32.msk $0xffff, v26  }
0x183: {  	v8 =	vmul.f32 v32, v8;
	v19 =	vsel vm6, s24, v37;
	[tilespmem:v40+s20+$0x0] =	vst.idx.add.f32.msk $0xffff, v1  }
0x184: {  	v18 =	vsel vm2, v18, v27;
	vm2 =	vlt.f32 v6, $1.000000000e+00;
	[tilespmem:v3+s20+$0x0] =	vst.idx.add.f32.msk $0xffff, v1;
	v6 =	vadd.s32 v2, v19  }
0x185: {  	v17 =	vsel vm2, v17, v23;
	vm2 =	vlt.f32 v7, $1.000000000e+00;
	[tilespmem:v40+s21+$0x0] =	vst.idx.add.f32.msk $0xffff, v18;
	v18 =	vsel vm3, s24, v36  }
0x186: {  	[tilespmem:v3+s21+$0x0] =	vst.idx.add.f32.msk $0xffff, v17;
	v3 =	vmul.f32 v31, v10;
	v10 =	vsel vm1, s24, v34;
	v7 =	vadd.s32 v2, v18  }
0x187: {  	v8 =	vsel vm2, v8, v24;
	[tilespmem:v5+s20+$0x0] =	vst.idx.add.f32.msk $0xffff, v1;
	vm1 =	vlt.f32 v9, $1.000000000e+00;
	v9 =	vadd.s32 v2, v10  }
0x188: {  	[tilespmem:v5+s21+$0x0] =	vst.idx.add.f32.msk $0xffff, v8;
	v8 =	vsel vm0, s24, v35  }
0x189: {  	v8 =	vadd.s32 v2, v8;
	v3 =	vsel vm1, v3, v25;
	[tilespmem:v6+s20+$0x0] =	vst.idx.add.f32.msk $0xffff, v1  }
0x18a: {  	v5 =	vmul.f32 v30, v12;
	[tilespmem:v6+s21+$0x0] =	vst.idx.add.f32.msk $0xffff, v3  }
0x18b: {  	vm0 =	vlt.f32 v11, $1.000000000e+00;
	[tilespmem:v7+s20+$0x0] =	vst.idx.add.f32.msk $0xffff, v1  }
0x18c: {  	v5 =	vsel vm0, v5, v22;
	v3 =	vmul.f32 v29, v15;
	[tilespmem:v9+s20+$0x0] =	vst.idx.add.f32.msk $0xffff, v1  }
0x18d: {  	vm0 =	vlt.f32 v13, $1.000000000e+00;
	[tilespmem:v7+s21+$0x0] =	vst.idx.add.f32.msk $0xffff, v5;
	v5 =	vmul.f32 v28, v16  }
0x18e: {  	[tilespmem:v8+s20+$0x0] =	vst.idx.add.f32.msk $0xffff, v1;
	v3 =	vsel vm0, v3, v21;
	vm0 =	vlt.f32 v14, $1.000000000e+00  }
0x18f: {  	[tilespmem:v9+s21+$0x0] =	vst.idx.add.f32.msk $0xffff, v3;
	v3 =	vsel vm0, v5, v20  }
0x190: {  	[tilespmem:v8+s21+$0x0] =	vst.idx.add.f32.msk $0xffff, v3  }
0x191: {  	_ =	swait.ge [sflag:s22], $0x2000  }
0x192: {  	[sflag:s22] =	ssyncset.done $0x0  }
0x193: {  	[sflag:s22] =	ssyncadd.s32 $0xFFFFE000  }
0x194: {  	_ =	swait.ge [sflag:s23], $0x2000  }
0x195: {  	[sflag:s23] =	ssyncset.done $0x0  }
0x196: {  	s2 =	simm.s32 $0x2040;
	[sflag:s23] =	ssyncadd.s32 $0xFFFFE000  }
0x197: {  	s0 =	simm.s32 $0x6040;
	v3 =	vld [tilespmem:s2+$0xFFFFFFC0]  }
0x198: {  	v5 =	vld [tilespmem:s0+$0xFFFFFFC0]  }
0x199: {  	v6 =	vld [tilespmem:s2+$0xFFFFFFD0]  }
0x19a: {  	v7 =	vld [tilespmem:s0+$0xFFFFFFD0]  }
0x19b: {  	v8 =	vld [tilespmem:s2+$0xFFFFFFE0]  }
0x19c: {  	v9 =	vld [tilespmem:s0+$0xFFFFFFE0];
	_ =	sdelay $0x2  }
0x19d: {  	v10 =	vld [tilespmem:s2+$0xFFFFFFF0]  }
0x19e: {  	v12 =	vld [tilespmem:s2+$0x10];
	vm0 =	vgt.f32 v5, $0.0e+00;
	v17 =	vsub.f32 v3, v5;
	vm1 =	vgt.f32 v7, $0.0e+00  }
0x19f: {  	v5 =	vld [tilespmem:s0+$0xFFFFFFF0];
	v18 =	vsub.f32 v6, v7;
	vm2 =	vgt.f32 v9, $0.0e+00;
	v42 =	vsub.f32 v8, v9  }
0x1a0: {  	v9 =	vld [tilespmem:s0+$0x10];
	v3 =	vsel vm0, $0x3F800000, v0;
	v6 =	vsel vm1, $0x3F800000, v0;
	v8 =	vsel vm2, $0x3F800000, v0  }
0x1a1: {  	v7 =	vld [tilespmem:s0+$0x0];
	v4 =	vadd.f32 v3, v4;
	v3 =	vand.u32 $0x7FFFFFFF, v17;
	v19 =	vmul.f32 $5.000000000e-01, v17  }
0x1a2: {  	v11 =	vld [tilespmem:s2+$0x0];
	v44 =	vmul.f32 $5.000000000e-01, v18;
	v45 =	vmul.f32 $5.000000000e-01, v42;
	v20 =	vsel vm0, $0x0, v3  }
0x1a3: {  	v6 =	vadd.f32 v6, v4;
	v4 =	vand.u32 $0x7FFFFFFF, v18;
	v33 =	vmul.f32 v19, v17  }
0x1a4: {  	vm7 =	veq.f32 v20, $0.0e+00;
	v18 =	vmul.f32 v44, v18;
	v17 =	vmul.f32 v45, v42  }
0x1a5: {  	vm0 =	vgt.f32 v5, $0.0e+00;
	v21 =	vsel vm1, $0x0, v4;
	v12 =	vsub.f32 v12, v9  }
0x1a6: {  	v13 =	vld [tilespmem:s2+$0x20];
	vm1 =	vgt.f32 v7, $0.0e+00;
	v14 =	vadd.f32 v8, v6;
	v8 =	vsub.f32 v10, v5  }
0x1a7: {  	v15 =	vld [tilespmem:s0+$0x20];
	v6 =	vand.u32 $0x7FFFFFFF, v42;
	v5 =	vsel vm0, $0x3F800000, v0;
	v10 =	vsub.f32 v11, v7  }
0x1a8: {  	v11 =	vsel vm1, $0x3F800000, v0;
	v28 =	vmin.f32 v21, $1.598437500e+01;
	vm4 =	veq.f32 v21, $0.0e+00  }
0x1a9: {  	v22 =	vsel vm2, $0x0, v6;
	vm2 =	vgt.f32 v9, $0.0e+00;
	v5 =	vadd.f32 v5, v14  }
0x1aa: {  	v7 =	vand.u32 $0x7FFFFFFF, v8;
	v9 =	vand.u32 $0x7FFFFFFF, v10;
	v30 =	vmin.f32 v22, $1.598437500e+01  }
0x1ab: {  	v16 =	vld [tilespmem:s2+$0x30];
	vm5 =	veq.f32 v22, $0.0e+00;
	v32 =	vmul.f32 $5.000000000e-01, v8;
	v23 =	vsel vm0, $0x0, v7  }
0x1ac: {  	v14 =	vld [tilespmem:s0+$0x30];
	vm0 =	vgt.f32 v15, $0.0e+00;
	v15 =	vsub.f32 v13, v15;
	v24 =	vsel vm1, $0x0, v9  }
0x1ad: {  	v21 =	vmul.f32 $6.400000000e+01, v30;
	v5 =	vadd.f32 v11, v5;
	v11 =	vsel vm2, $0x3F800000, v0  }
0x1ae: {  	v13 =	vsel vm0, $0x3F800000, v0;
	v31 =	vmin.f32 v23, $1.598437500e+01;
	v56 =	vmin.f32 v24, $1.598437500e+01  }
0x1af: {  	vm6 =	veq.f32 v24, $0.0e+00;
	v24 =	vadd.f32 $-5.000000000e-01, v7;
	v22 =	vmul.f32 $6.400000000e+01, v56  }
0x1b0: {  	v21 =	vtrunc.f32 v21;
	v5 =	vadd.f32 v11, v5;
	v11 =	vand.u32 $0x7FFFFFFF, v12  }
0x1b1: {  	v39 =	vcvt.f32.s32 v21;
	vm1 =	vgt.f32 v14, $0.0e+00;
	v16 =	vsub.f32 v16, v14  }
0x1b2: {  	v25 =	vsel vm2, $0x0, v11;
	vm2 =	veq.f32 v23, $0.0e+00;
	v22 =	vtrunc.f32 v22  }
0x1b3: {  	v5 =	vadd.f32 v13, v5;
	v13 =	vand.u32 $0x7FFFFFFF, v15;
	v26 =	vsel vm1, $0x3F800000, v0  }
0x1b4: {  	v57 =	vmin.f32 v25, $1.598437500e+01;
	vm3 =	veq.f32 v25, $0.0e+00;
	v25 =	vadd.f32 $-5.000000000e-01, v9  }
0x1b5: {  	v37 =	vcvt.f32.s32 v22;
	v22 =	vadd.f32 $-5.000000000e-01, v11;
	v27 =	vsel vm0, $0x0, v13  }
0x1b6: {  	v14 =	vand.u32 $0x7FFFFFFF, v16;
	v30 =	vmul.f32 $6.400000000e+01, v57;
	v5 =	vadd.f32 v26, v5  }
0x1b7: {  	v26 =	vmin.f32 v20, $1.598437500e+01;
	v29 =	vsel vm1, $0x0, v14;
	v20 =	vmul.f32 $6.400000000e+01, v28  }
0x1b8: {  	v58 =	vmin.f32 v27, $1.598437500e+01;
	v28 =	vmul.f32 $6.400000000e+01, v31;
	v26 =	vmul.f32 $6.400000000e+01, v26  }
0x1b9: {  	v59 =	vmin.f32 v29, $1.598437500e+01;
	v23 =	vmul.f32 $6.400000000e+01, v58;
	v62 =	vtrunc.f32 v30  }
0x1ba: {  	vm0 =	veq.f32 v29, $0.0e+00;
	v30 =	vmul.f32 $5.000000000e-01, v12;
	v29 =	vmul.f32 $5.000000000e-01, v15  }
0x1bb: {  	v21 =	vadd.f32 $-5.000000000e-01, v13;
	v31 =	vmul.f32 $6.400000000e+01, v59;
	v20 =	vtrunc.f32 v20  }
0x1bc: {  	vm1 =	veq.f32 v27, $0.0e+00;
	v61 =	vtrunc.f32 v28;
	v28 =	vmul.f32 $5.000000000e-01, v16  }
0x1bd: {  	v27 =	vadd.f32 $-5.000000000e-01, v4;
	v36 =	vcvt.f32.s32 v62;
	v60 =	vtrunc.f32 v26  }
0x1be: {  	v63 =	vtrunc.f32 v23;
	v26 =	vadd.f32 $-5.000000000e-01, v3;
	v40 =	vcvt.f32.s32 v20  }
0x1bf: {  	s31 =	simm.s32 $0x0;
	v23 =	vadd.f32 $-5.000000000e-01, v6;
	v38 =	vcvt.f32.s32 v61;
	v46 =	vcvt.f32.s32 v60  }
0x1c0: {  	s24 =	sor.u32 $0x43C, s31;
	v20 =	vadd.f32 $-5.000000000e-01, v14;
	v43 =	vtrunc.f32 v31;
	v31 =	vmul.f32 $5.000000000e-01, v10  }
0x1c1: {  	s5 =	simm.s32 $0x20C0;
	s2 =	simm.s32 $0x0;
	v34 =	vcvt.f32.s32 v63;
	v35 =	vcvt.f32.s32 v43;
	v41 =	vsel vm7, s24, v46  }
.LBB2_12:
0x1c2: {  	v19 =	vld [tilespmem:s5+$0xFFFFFFC0];
	v40 =	vsel vm4, s24, v40;
	v8 =	vmul.f32 v32, v8;
	v10 =	vmul.f32 v31, v10  }
0x1c3: {  	v32 =	vsel vm5, s24, v39;
	v12 =	vmul.f32 v30, v12;
	v15 =	vmul.f32 v29, v15;
	v31 =	vld [tilespmem:s5+$0xFFFFFFD0]  }
0x1c4: {  	v30 =	vsel vm2, s24, v38;
	v37 =	vsel vm6, s24, v37;
	v16 =	vmul.f32 v28, v16;
	v29 =	vld [tilespmem:s5+$0xFFFFFFE0]  }
0x1c5: {  	v36 =	vsel vm3, s24, v36;
	v34 =	vsel vm1, s24, v34;
	v35 =	vsel vm0, s24, v35;
	v28 =	vld [tilespmem:s5+$0xFFFFFFF0]  }
0x1c6: {  	vm0 =	vlt.f32 v3, $1.000000000e+00;
	vm1 =	vlt.f32 v4, $1.000000000e+00;
	vm2 =	vlt.f32 v6, $1.000000000e+00;
	v38 =	vld [tilespmem:s5+$0x0]  }
0x1c7: {  	vm3 =	vlt.f32 v7, $1.000000000e+00;
	vm4 =	vlt.f32 v9, $1.000000000e+00;
	vm5 =	vlt.f32 v11, $1.000000000e+00;
	s0 =	sadd.s32 $0x80, s0;
	v39 =	vld [tilespmem:s5+$0x10]  }
0x1c8: {  	v4 =	vadd.s32 v2, v41;
	vm6 =	vlt.f32 v13, $1.000000000e+00;
	vm7 =	vlt.f32 v14, $1.000000000e+00;
	v3 =	vld [tilespmem:s0+$0xFFFFFFC0]  }
0x1c9: {  	v6 =	vadd.s32 v2, v40;
	v9 =	vadd.s32 v2, v32;
	v13 =	vadd.s32 v2, v30;
	v11 =	vld [tilespmem:s5+$0x20]  }
0x1ca: {  	v14 =	vadd.s32 v2, v37;
	v30 =	vadd.s32 v2, v36;
	v32 =	vadd.s32 v2, v34;
	v7 =	vld [tilespmem:s0+$0xFFFFFFD0]  }
0x1cb: {  	v26 =	vsel vm0, v33, v26;
	v27 =	vsel vm1, v18, v27;
	v33 =	vadd.s32 v2, v35;
	v34 =	vld [tilespmem:s5+$0x30]  }
0x1cc: {  	v23 =	vsel vm2, v17, v23;
	v24 =	vsel vm3, v8, v24;
	v25 =	vsel vm4, v10, v25;
	v35 =	vld [tilespmem:s0+$0xFFFFFFE0]  }
0x1cd: {  	v22 =	vsel vm5, v12, v22;
	vm0 =	vgt.f32 v3, $0.0e+00;
	v17 =	vsub.f32 v19, v3;
	[tilespmem:v4+s20+$0x0] =	vst.idx.add.f32.msk $0xffff, v1  }
0x1ce: {  	v21 =	vsel vm6, v15, v21;
	v36 =	vsel vm7, v16, v20;
	v3 =	vsel vm0, $0x3F800000, v0;
	v8 =	vld [tilespmem:s0+$0xFFFFFFF0]  }
0x1cf: {  	v5 =	vadd.f32 v3, v5;
	vm1 =	vgt.f32 v7, $0.0e+00;
	v18 =	vsub.f32 v31, v7;
	[tilespmem:v4+s21+$0x0] =	vst.idx.add.f32.msk $0xffff, v26  }
0x1d0: {  	v3 =	vand.u32 $0x7FFFFFFF, v17;
	v20 =	vmul.f32 $5.000000000e-01, v17;
	v4 =	vsel vm1, $0x3F800000, v0;
	v7 =	vld [tilespmem:s0+$0x0]  }
0x1d1: {  	v5 =	vadd.f32 v4, v5;
	vm2 =	vgt.f32 v35, $0.0e+00;
	v19 =	vsub.f32 v29, v35;
	[tilespmem:v6+s20+$0x0] =	vst.idx.add.f32.msk $0xffff, v1  }
0x1d2: {  	v26 =	vsel vm0, $0x0, v3;
	v4 =	vand.u32 $0x7FFFFFFF, v18;
	v10 =	vsel vm2, $0x3F800000, v0;
	v12 =	vld [tilespmem:s0+$0x10]  }
0x1d3: {  	v5 =	vadd.f32 v10, v5;
	vm0 =	vgt.f32 v8, $0.0e+00;
	v8 =	vsub.f32 v28, v8;
	[tilespmem:v6+s21+$0x0] =	vst.idx.add.f32.msk $0xffff, v27  }
0x1d4: {  	v27 =	vsel vm1, $0x0, v4;
	v6 =	vand.u32 $0x7FFFFFFF, v19;
	v10 =	vsel vm0, $0x3F800000, v0;
	v15 =	vld [tilespmem:s0+$0x20]  }
0x1d5: {  	v5 =	vadd.f32 v10, v5;
	vm1 =	vgt.f32 v7, $0.0e+00;
	v10 =	vsub.f32 v38, v7;
	[tilespmem:v9+s20+$0x0] =	vst.idx.add.f32.msk $0xffff, v1  }
0x1d6: {  	v28 =	vsel vm2, $0x0, v6;
	v7 =	vand.u32 $0x7FFFFFFF, v8;
	v16 =	vsel vm1, $0x3F800000, v0;
	v29 =	vld [tilespmem:s0+$0x30]  }
0x1d7: {  	v5 =	vadd.f32 v16, v5;
	vm2 =	vgt.f32 v12, $0.0e+00;
	v12 =	vsub.f32 v39, v12;
	[tilespmem:v9+s21+$0x0] =	vst.idx.add.f32.msk $0xffff, v23  }
0x1d8: {  	v23 =	vsel vm0, $0x0, v7;
	v9 =	vand.u32 $0x7FFFFFFF, v10;
	v16 =	vsel vm2, $0x3F800000, v0;
	[tilespmem:v13+s20+$0x0] =	vst.idx.add.f32.msk $0xffff, v1  }
0x1d9: {  	v5 =	vadd.f32 v16, v5;
	vm0 =	vgt.f32 v15, $0.0e+00;
	v15 =	vsub.f32 v11, v15;
	[tilespmem:v13+s21+$0x0] =	vst.idx.add.f32.msk $0xffff, v24  }
0x1da: {  	v24 =	vsel vm1, $0x0, v9;
	v11 =	vand.u32 $0x7FFFFFFF, v12;
	v13 =	vsel vm0, $0x3F800000, v0;
	[tilespmem:v14+s20+$0x0] =	vst.idx.add.f32.msk $0xffff, v1  }
0x1db: {  	v5 =	vadd.f32 v13, v5;
	vm1 =	vgt.f32 v29, $0.0e+00;
	v16 =	vsub.f32 v34, v29;
	[tilespmem:v14+s21+$0x0] =	vst.idx.add.f32.msk $0xffff, v25  }
0x1dc: {  	v25 =	vsel vm2, $0x0, v11;
	v13 =	vand.u32 $0x7FFFFFFF, v15;
	v29 =	vsel vm1, $0x3F800000, v0;
	[tilespmem:v30+s20+$0x0] =	vst.idx.add.f32.msk $0xffff, v1  }
0x1dd: {  	v31 =	vsel vm0, $0x0, v13;
	v14 =	vand.u32 $0x7FFFFFFF, v16;
	v5 =	vadd.f32 v29, v5;
	[tilespmem:v30+s21+$0x0] =	vst.idx.add.f32.msk $0xffff, v22  }
0x1de: {  	v22 =	vmin.f32 v26, $1.598437500e+01;
	v29 =	vmin.f32 v27, $1.598437500e+01;
	v30 =	vsel vm1, $0x0, v14;
	[tilespmem:v32+s20+$0x0] =	vst.idx.add.f32.msk $0xffff, v1  }
0x1df: {  	v35 =	vmin.f32 v23, $1.598437500e+01;
	v37 =	vmin.f32 v24, $1.598437500e+01;
	v34 =	vmin.f32 v28, $1.598437500e+01;
	[tilespmem:v32+s21+$0x0] =	vst.idx.add.f32.msk $0xffff, v21  }
0x1e0: {  	v21 =	vmin.f32 v25, $1.598437500e+01;
	v32 =	vmin.f32 v31, $1.598437500e+01;
	v38 =	vmin.f32 v30, $1.598437500e+01;
	[tilespmem:v33+s20+$0x0] =	vst.idx.add.f32.msk $0xffff, v1  }
0x1e1: {  	vm7 =	veq.f32 v26, $0.0e+00;
	v22 =	vmul.f32 $6.400000000e+01, v22;
	v26 =	vmul.f32 $6.400000000e+01, v29;
	[tilespmem:v33+s21+$0x0] =	vst.idx.add.f32.msk $0xffff, v36  }
0x1e2: {  	vm4 =	veq.f32 v27, $0.0e+00;
	v27 =	vmul.f32 $6.400000000e+01, v34;
	v29 =	vmul.f32 $6.400000000e+01, v35  }
0x1e3: {  	vm5 =	veq.f32 v28, $0.0e+00;
	v28 =	vmul.f32 $6.400000000e+01, v37;
	v21 =	vmul.f32 $6.400000000e+01, v21  }
0x1e4: {  	vm2 =	veq.f32 v23, $0.0e+00;
	v23 =	vmul.f32 $6.400000000e+01, v32;
	v32 =	vmul.f32 $6.400000000e+01, v38  }
0x1e5: {  	vm6 =	veq.f32 v24, $0.0e+00;
	v22 =	vtrunc.f32 v22;
	v33 =	vtrunc.f32 v26  }
0x1e6: {  	vm3 =	veq.f32 v25, $0.0e+00;
	v34 =	vtrunc.f32 v27;
	v35 =	vtrunc.f32 v29  }
0x1e7: {  	vm1 =	veq.f32 v31, $0.0e+00;
	v36 =	vtrunc.f32 v28;
	v21 =	vtrunc.f32 v21  }
0x1e8: {  	vm0 =	veq.f32 v30, $0.0e+00;
	v41 =	vtrunc.f32 v23;
	v42 =	vtrunc.f32 v32  }
0x1e9: {  	v43 =	vmul.f32 $5.000000000e-01, v18;
	v44 =	vmul.f32 $5.000000000e-01, v19;
	v26 =	vadd.f32 $-5.000000000e-01, v3  }
0x1ea: {  	v27 =	vadd.f32 $-5.000000000e-01, v4;
	v31 =	vmul.f32 $5.000000000e-01, v10;
	v32 =	vmul.f32 $5.000000000e-01, v8  }
0x1eb: {  	s2 =	sadd.s32 $0x8, s2;
	v30 =	vmul.f32 $5.000000000e-01, v12;
	v29 =	vmul.f32 $5.000000000e-01, v15;
	v23 =	vadd.f32 $-5.000000000e-01, v6  }
0x1ec: {  	p0 =	slt.u32 s2, $0x1F8;
	v24 =	vadd.f32 $-5.000000000e-01, v7;
	v45 =	vcvt.f32.s32 v22;
	v28 =	vmul.f32 $5.000000000e-01, v16  }
.Ltmp5:
0x1ed: {  	v25 =	vadd.f32 $-5.000000000e-01, v9;
	v39 =	vcvt.f32.s32 v34;
	v40 =	vcvt.f32.s32 v33;
	(pc) =	sbr.rel @p0 .LBB2_12-.Ltmp5, $4  }
0x1ee: {  	v38 =	vcvt.f32.s32 v35;
	v22 =	vadd.f32 $-5.000000000e-01, v11;
	v37 =	vcvt.f32.s32 v36  }
0x1ef: {  	s6 =	sshrl.u32 s2, $0x7;
	v36 =	vcvt.f32.s32 v21;
	v21 =	vadd.f32 $-5.000000000e-01, v13;
	v34 =	vcvt.f32.s32 v41  }
0x1f0: {  	s24 =	sor.u32 $0x43C, s6;
	v33 =	vmul.f32 v20, v17;
	v20 =	vadd.f32 $-5.000000000e-01, v14;
	v35 =	vcvt.f32.s32 v42  }
0x1f1: {  	s5 =	sadd.s32 $0x80, s5;
	v18 =	vmul.f32 v43, v18;
	v17 =	vmul.f32 v44, v19;
	v41 =	vsel vm7, s24, v45  }
0x1f2: {  	v19 =	vadd.s32 v2, v41  }
0x1f3: {  	v40 =	vsel vm4, s24, v40  }
0x1f4: {  	v39 =	vsel vm5, s24, v39;
	v40 =	vadd.s32 v2, v40  }
0x1f5: {  	vm8 =	vlt.f32 v3, $1.000000000e+00;
	v38 =	vsel vm2, s24, v38;
	v3 =	vadd.s32 v2, v39  }
0x1f6: {  	v55 =	vsel vm6, s24, v37;
	v54 =	vadd.s32 v2, v38  }
0x1f7: {  	v57 =	vsel vm3, s24, v36;
	v26 =	vsel vm8, v33, v26;
	v56 =	vadd.s32 v2, v55;
	[tilespmem:v19+s20+$0x0] =	vst.idx.add.f32.msk $0xffff, v1  }
0x1f8: {  	v58 =	vadd.s32 v2, v57;
	[tilespmem:v19+s21+$0x0] =	vst.idx.add.f32.msk $0xffff, v26  }
0x1f9: {  	[tilespmem:v40+s20+$0x0] =	vst.idx.add.f32.msk $0xffff, v1  }
0x1fa: {  	v59 =	vsel vm1, s24, v34;
	[tilespmem:v3+s20+$0x0] =	vst.idx.add.f32.msk $0xffff, v1  }
0x1fb: {  	v60 =	vadd.s32 v2, v59;
	[tilespmem:v54+s20+$0x0] =	vst.idx.add.f32.msk $0xffff, v1  }
0x1fc: {  	vm10 =	vlt.f32 v6, $1.000000000e+00;
	v8 =	vmul.f32 v32, v8;
	[tilespmem:v56+s20+$0x0] =	vst.idx.add.f32.msk $0xffff, v1  }
0x1fd: {  	vm11 =	vlt.f32 v7, $1.000000000e+00;
	v17 =	vsel vm10, v17, v23;
	[tilespmem:v58+s20+$0x0] =	vst.idx.add.f32.msk $0xffff, v1  }
0x1fe: {  	v62 =	vsel vm0, s24, v35;
	v8 =	vsel vm11, v8, v24;
	[tilespmem:v3+s21+$0x0] =	vst.idx.add.f32.msk $0xffff, v17  }
0x1ff: {  	vm9 =	vlt.f32 v4, $1.000000000e+00;
	v3 =	vmul.f32 v31, v10;
	[tilespmem:v54+s21+$0x0] =	vst.idx.add.f32.msk $0xffff, v8;
	v8 =	vadd.s32 v2, v62  }
0x200: {  	vm12 =	vlt.f32 v9, $1.000000000e+00;
	v61 =	vmul.f32 v30, v12;
	v18 =	vsel vm9, v18, v27;
	[tilespmem:v60+s20+$0x0] =	vst.idx.add.f32.msk $0xffff, v1  }
0x201: {  	vm13 =	vlt.f32 v11, $1.000000000e+00;
	[tilespmem:v40+s21+$0x0] =	vst.idx.add.f32.msk $0xffff, v18;
	v3 =	vsel vm12, v3, v25  }
0x202: {  	v4 =	vsel vm13, v61, v22;
	[tilespmem:v56+s21+$0x0] =	vst.idx.add.f32.msk $0xffff, v3;
	v3 =	vmul.f32 v29, v15  }
0x203: {  	vm14 =	vlt.f32 v13, $1.000000000e+00;
	v63 =	vmul.f32 v28, v16;
	[tilespmem:v58+s21+$0x0] =	vst.idx.add.f32.msk $0xffff, v4  }
0x204: {  	vm15 =	vlt.f32 v14, $1.000000000e+00;
	v3 =	vsel vm14, v3, v21;
	[tilespmem:v8+s20+$0x0] =	vst.idx.add.f32.msk $0xffff, v1  }
0x205: {  	[tilespmem:v60+s21+$0x0] =	vst.idx.add.f32.msk $0xffff, v3;
	v3 =	vsel vm15, v63, v20  }
0x206: {  	[tilespmem:v8+s21+$0x0] =	vst.idx.add.f32.msk $0xffff, v3  }
0x207: {  	s0 =	simm.s32 $0x80;
	s2 =	simm.s32 $0x400;
	[tilespmem:$0x10900] =	vst v5  }
0x208: {  	[hbm4b:s11+s0] =	stream.strided.scatter [tilespmem:s20], [sflag:$0x5], $0x4480, s2, s0, $0x38;
	[tilespmem:$0x10980] =	vst v63  }
0x209: {  	_ =	swait.ge [sflag:s26], $0x4480  }
0x20a: {  	[sflag:s26] =	ssyncset.done $0x0  }
0x20b: {  	[sflag:s26] =	ssyncadd.s32 $0xFFFFBB80  }
0x20c: {  	[hbm4b:s12+s0] =	stream.strided.scatter [tilespmem:s21], [sflag:$0x5], $0x4480, s2, s0, $0x38;
	[tilespmem:$0x10980] =	vst v63  }
0x20d: {  	s29 =	sadd.s32 $0x1, s29;
	_ =	swait.ge [sflag:s26], $0x4480  }
0x20e: {  	p0 =	sne.s32 s29, s14;
	[sflag:s26] =	ssyncset.done $0x0  }
.Ltmp6:
0x20f: {  	s31 =	simm.s32 $0x10900;
	[sflag:s26] =	ssyncadd.s32 $0xFFFFBB80;
	(pc) =	sbr.rel @p0 .LBB2_1-.Ltmp6, $4  }
0x210: {  	[hbm4b:s13+s4] =	stream.linear.scatter [tilespmem:s31], [sflag:$0x5], $0x80, $0x38;
	[tilespmem:$0x10980] =	vst v63  }
0x211: {  	_ =	swait.ge [sflag:s26], $0x80  }
0x212: {  	[sflag:s26] =	ssyncset.done $0x0  }
0x213: {  	[sflag:s26] =	ssyncadd.s32 $0xFFFFFF80  }
0x214: {  	_ =	sfence.sel $0x180000  }
0x215: {  	[bflag:$0x0] =	sbarrier.arrive $0xFFFF  }
0x216: {  	_ =	strace $0x90000047  }
0x217: {  	s0 =	stileid.u32;
	[bflag:$0x2] =	sbarrier.arrive $0xFFFF  }
0x218: {  	p0 =	sne.s32 s0, $0x0;
	s0 =	rddreg [dreg:$0x3]  }
0x219: {  	s0 =	sadd.s32 @!p0 $0x100000, s0  }
0x21a: {  	[sflag:s0] =	ssyncadd.tile.s32 @!p0 $0x1;
	_ =	shalt  }
.Lfunc_end2:
_tile_overlayer_lowered:
.L_overlay_start_2:
0x21b: {  	(tag) =	ssettag $0x2  }
0x21c: {  	s0 =	rddreg [dreg:$0x0];
	s2 =	stileid.u32  }
0x21d: {  	s1 =	rddreg [dreg:$0x1];
	p0 =	sne.s32 s2, $0x0  }
0x21e: {  	s3 =	rddreg [dreg:$0x2];
	[bflag:$0x3] =	sbarrier.arrive $0xFFFF;
	s2 =	simm.s32 @!p0 $0x1C05  }
0x21f: {  	[timem:s3], [sflag:s2] =	dma.local @!p0 [hbm:s0], s1  }
0x220: {  	s0 =	simm.s32 @!p0 $0x5  }
0x221: {  	_ =	swait.ge @!p0 [sflag:s0], s1  }
0x222: {  	s1 =	ssub.s32 @!p0 $0x0, s1;
	[sflag:s0] =	ssyncset.done @!p0 $0x0  }
0x223: {  	[sflag:s0] =	ssyncadd.s32 @!p0 s1  }
0x224: {  	[bflag:$0x3] =	sbarrier.arrive $0xFFFF  }
0x225: {  	_ =	shalt  }

</sc_bundles>
